<compile_context>
chip_gen: v7x
topology: tpu7x:2x2x1
jax: 0.10.2.dev20260603
libtpu: 0.0.44.dev20260713+nightly
codegen_flags: <defaults>
</compile_context>

<pallas_src>
import jax
import jax.numpy as jnp
from jax import lax
from jax.experimental import pallas as pl
from jax.experimental.pallas import tpu as pltpu
from jax.experimental.pallas import tpu_sc as plsc

_NC = 2
_NS = 16
_NW = _NC * _NS

_B, _L = 4096, 200
_N = _B * _L
_V = 21
_D = 21
_DP = 24
_IW = 128
_PER_W = _N // _NW
_TILES_W = _PER_W // _IW
_G = 20
_NGRP = _TILES_W // _G
_R = 256


def _body(idx_hbm, table_hbm, out_hbm, idx_all, sem_g, sem_o, *row_bufs):
    wid = lax.axis_index("s") * _NC + lax.axis_index("c")
    pltpu.sync_copy(idx_hbm.at[pl.ds(wid * (_TILES_W // 8), _TILES_W // 8)],
                    idx_all)

    def drain_writes():
        for j in range(_G):
            pltpu.make_async_copy(row_bufs[j], out_hbm.at[pl.ds(0, _IW)],
                                  sem_o).wait()

    def step(i, carry):
        @pl.when(i > 0)
        def _():
            drain_writes()

        t0 = i * _G
        gathers = [
            pltpu.async_copy(
                table_hbm.at[idx_all.at[(t0 + j) // 8, (t0 + j) % 8]],
                row_bufs[j], sem_g)
            for j in range(_G)
        ]
        for g in gathers:
            g.wait()
        base = wid * _PER_W + t0 * _IW
        for j in range(_G):
            pltpu.async_copy(row_bufs[j],
                             out_hbm.at[pl.ds(base + j * _IW, _IW)], sem_o)
        return carry

    lax.fori_loop(0, _NGRP, step, 0)
    drain_writes()


def kernel(sequence_indices, table):
    rep_off = _V * (jnp.arange(_N, dtype=jnp.int32) % _R)
    idx_rows = (sequence_indices.reshape(_N) + rep_off).reshape(
        _N // 1024, 8, _IW)
    table_padded = jnp.tile(jnp.pad(table, ((0, 0), (0, _DP - _D))),
                            (_R, 1))
    mesh = plsc.VectorSubcoreMesh(
        core_axis_name="c", subcore_axis_name="s",
        num_cores=_NC, num_subcores=_NS,
    )
    k = pl.kernel(
        _body,
        out_type=jax.ShapeDtypeStruct((_N, _DP), jnp.float32),
        mesh=mesh,
        scratch_types=[
            pltpu.VMEM((_TILES_W // 8, 8, _IW), jnp.int32),
            pltpu.SemaphoreType.DMA,
            pltpu.SemaphoreType.DMA,
        ] + [pltpu.VMEM((_IW, _DP), jnp.float32) for _ in range(_G)],
        compiler_params=pltpu.CompilerParams(use_tc_tiling_on_sc=False),
    )
    out = k(idx_rows, table_padded)
    return out[:, :_D].reshape(_B, _L, _D)

# --- scband reference (transcript-rebuilt; emitter-appended) ---
"""Pipeline reference for scband-custom-embedding-16793322127981 (READ-ONLY COPY).

The authoritative reference and input builder live on the scoring server;
editing this copy changes nothing except your own understanding.
"""

import jax, jax.numpy as jnp
import numpy as np

RESIDUE_TOKENS = ['L', 'A', 'G', 'V', 'S', 'E', 'R', 'T', 'I', 'D', 'P', 'K', 'Q', 'N', 'F', 'Y', 'M', 'H', 'W', 'C', '-']


def _build_table():
    # Substitution matrix as dense [21, 21] table: 5 on diagonal, -1 off-diagonal.
    # Matches the dict-of-dicts `matrix` passed to the torch module's __init__.
    n = len(RESIDUE_TOKENS)
    return jnp.full((n, n), -1.0, dtype=jnp.float32) + 6.0 * jnp.eye(n, dtype=jnp.float32)


def setup_inputs(seed: int = 0) -> dict:
    key = jax.random.key(seed)
    sequence_indices = jax.random.randint(key, (4096, 200), 0, 21, dtype=jnp.int32)
    table = _build_table()
    return {"sequence_indices": sequence_indices, "table": table}


def reference(sequence_indices, table):
    # For each index, look up the full 21-dim substitution row:
    # output[b, l, :] = matrix[tokens[idx[b, l]]][aa for aa in tokens]
    return jnp.take(table, sequence_indices, axis=0)

if __name__ == "__main__":
    import jax
    _d = setup_inputs()
    print(jax.jit(kernel)(*tuple(_d.values())))

</pallas_src>

<mosaic_0001>
#map = affine_map<(d0, d1) -> (0, 0, 0)>
#map1 = affine_map<(d0, d1) -> (0, 0)>
module attributes {stable_mosaic.version = 14 : i64} {
  func.func @_body(%arg0: i32, %arg1: i32, %arg2: memref<800x8x128xi32, #tpu.memory_space<hbm>>, %arg3: memref<5376x24xf32, #tpu.memory_space<hbm>>, %arg4: memref<819200x24xf32, #tpu.memory_space<hbm>>, %arg5: memref<25x8x128xi32, #tpu.memory_space<vmem>>, %arg6: memref<!tpu.dma_semaphore, #tpu.memory_space<semaphore_mem>>, %arg7: memref<!tpu.dma_semaphore, #tpu.memory_space<semaphore_mem>>, %arg8: memref<128x24xf32, #tpu.memory_space<vmem>>, %arg9: memref<128x24xf32, #tpu.memory_space<vmem>>, %arg10: memref<128x24xf32, #tpu.memory_space<vmem>>, %arg11: memref<128x24xf32, #tpu.memory_space<vmem>>, %arg12: memref<128x24xf32, #tpu.memory_space<vmem>>, %arg13: memref<128x24xf32, #tpu.memory_space<vmem>>, %arg14: memref<128x24xf32, #tpu.memory_space<vmem>>, %arg15: memref<128x24xf32, #tpu.memory_space<vmem>>, %arg16: memref<128x24xf32, #tpu.memory_space<vmem>>, %arg17: memref<128x24xf32, #tpu.memory_space<vmem>>, %arg18: memref<128x24xf32, #tpu.memory_space<vmem>>, %arg19: memref<128x24xf32, #tpu.memory_space<vmem>>, %arg20: memref<128x24xf32, #tpu.memory_space<vmem>>, %arg21: memref<128x24xf32, #tpu.memory_space<vmem>>, %arg22: memref<128x24xf32, #tpu.memory_space<vmem>>, %arg23: memref<128x24xf32, #tpu.memory_space<vmem>>, %arg24: memref<128x24xf32, #tpu.memory_space<vmem>>, %arg25: memref<128x24xf32, #tpu.memory_space<vmem>>, %arg26: memref<128x24xf32, #tpu.memory_space<vmem>>, %arg27: memref<128x24xf32, #tpu.memory_space<vmem>>) attributes {dimension_semantics = [#tpu.dimension_semantics<core_parallel>, #tpu.dimension_semantics<subcore_parallel>], iteration_bounds = array<i64: 2, 16>, scalar_prefetch = 0 : i64, scratch_operands = 23 : i64, tpu.core_type = #tpu.core_type<sc_vector_subcore>, window_params = [{transform_indices = #map}, {transform_indices = #map1}, {transform_indices = #map1}]} {
    %mul3A = arith.constant 2 : i32
    %mul3A_0 = arith.muli %arg1, %mul3A : i32
    %add3A = arith.addi %mul3A_0, %arg0 : i32
    %mul3A_1 = arith.constant 25 : i32
    %mul3A_2 = arith.muli %add3A, %mul3A_1 : i32
    "tpu.region"() ({
      %run_scoped3A = tpu.sem_alloc : memref<!tpu.dma_semaphore, #tpu.memory_space<semaphore_mem>>
      %dma_start3A = arith.constant 0 : i32
      %dma_start3A_127 = arith.constant 0 : i32
      %dma_start3A_128 = tpu.memref_slice %arg2[%mul3A_2, %dma_start3A, %dma_start3A_127] : memref<800x8x128xi32, #tpu.memory_space<hbm>> -> memref<25x8x128xi32, #tpu.memory_space<hbm>>
      %dma_start3A_129 = arith.constant 0 : i32
      %dma_start3A_130 = arith.constant 0 : i32
      %dma_start3A_131 = tpu.memref_slice %arg2[%mul3A_2, %dma_start3A_129, %dma_start3A_130] : memref<800x8x128xi32, #tpu.memory_space<hbm>> -> memref<25x8x128xi32, #tpu.memory_space<hbm>>
      tpu.enqueue_dma source(%dma_start3A_131 : memref<25x8x128xi32, #tpu.memory_space<hbm>>) target(%arg5 : memref<25x8x128xi32, #tpu.memory_space<vmem>>) target_semaphore(%run_scoped3A : memref<!tpu.dma_semaphore, #tpu.memory_space<semaphore_mem>>)
      %dma_wait3A_132 = arith.constant 0 : i32
      %dma_wait3A_133 = arith.constant 0 : i32
      %dma_wait3A_134 = tpu.memref_slice %arg2[%mul3A_2, %dma_wait3A_132, %dma_wait3A_133] : memref<800x8x128xi32, #tpu.memory_space<hbm>> -> memref<25x8x128xi32, #tpu.memory_space<hbm>>
      %dma_wait3A_135 = arith.constant 0 : i32
      %dma_wait3A_136 = arith.constant 0 : i32
      %dma_wait3A_137 = tpu.memref_slice %arg2[%mul3A_2, %dma_wait3A_135, %dma_wait3A_136] : memref<800x8x128xi32, #tpu.memory_space<hbm>> -> memref<25x8x128xi32, #tpu.memory_space<hbm>>
      tpu.wait_dma2 semaphore(%run_scoped3A : memref<!tpu.dma_semaphore, #tpu.memory_space<semaphore_mem>>) src(%dma_wait3A_137 : memref<25x8x128xi32, #tpu.memory_space<hbm>>) dst(%arg5 : memref<25x8x128xi32, #tpu.memory_space<vmem>>)
      tpu.yield
    }) : () -> ()
    %scan3A = arith.constant 0 : i32
    %scan3A_3 = arith.constant 0 : i32
    %scan3A_4 = arith.constant 10 : i32
    %scan3A_5 = arith.addi %scan3A_3, %scan3A_4 : i32
    %scan3A_6 = arith.constant 1 : i32
    scf.for %scan3A_127 = %scan3A_3 to %scan3A_5 step %scan3A_6  : i32 {
      %gt3A = arith.constant 0 : i32
      %gt3A_128 = arith.cmpi sgt, %scan3A_127, %gt3A : i32
      %convert_element_type3A = arith.extui %gt3A_128 : i1 to i32
      %cond3A = arith.constant 0 : i32
      %cond3A_129 = arith.cmpi ne, %convert_element_type3A, %cond3A : i32
      scf.if %cond3A_129 {
        %dma_wait3A_1366 = arith.constant 0 : i32
        %dma_wait3A_1367 = arith.constant 0 : i32
        %dma_wait3A_1368 = tpu.memref_slice %arg4[%dma_wait3A_1366, %dma_wait3A_1367] : memref<819200x24xf32, #tpu.memory_space<hbm>> -> memref<128x24xf32, #tpu.memory_space<hbm>>
        %dma_wait3A_1369 = arith.constant 0 : i32
        %dma_wait3A_1370 = arith.constant 0 : i32
        %dma_wait3A_1371 = tpu.memref_slice %arg4[%dma_wait3A_1369, %dma_wait3A_1370] : memref<819200x24xf32, #tpu.memory_space<hbm>> -> memref<128x24xf32, #tpu.memory_space<hbm>>
        tpu.wait_dma2 semaphore(%arg7 : memref<!tpu.dma_semaphore, #tpu.memory_space<semaphore_mem>>) src(%arg8 : memref<128x24xf32, #tpu.memory_space<vmem>>) dst(%dma_wait3A_1371 : memref<128x24xf32, #tpu.memory_space<hbm>>)
        %dma_wait3A_1372 = arith.constant 0 : i32
        %dma_wait3A_1373 = arith.constant 0 : i32
        %dma_wait3A_1374 = tpu.memref_slice %arg4[%dma_wait3A_1372, %dma_wait3A_1373] : memref<819200x24xf32, #tpu.memory_space<hbm>> -> memref<128x24xf32, #tpu.memory_space<hbm>>
        %dma_wait3A_1375 = arith.constant 0 : i32
        %dma_wait3A_1376 = arith.constant 0 : i32
        %dma_wait3A_1377 = tpu.memref_slice %arg4[%dma_wait3A_1375, %dma_wait3A_1376] : memref<819200x24xf32, #tpu.memory_space<hbm>> -> memref<128x24xf32, #tpu.memory_space<hbm>>
        tpu.wait_dma2 semaphore(%arg7 : memref<!tpu.dma_semaphore, #tpu.memory_space<semaphore_mem>>) src(%arg9 : memref<128x24xf32, #tpu.memory_space<vmem>>) dst(%dma_wait3A_1377 : memref<128x24xf32, #tpu.memory_space<hbm>>)
        %dma_wait3A_1378 = arith.constant 0 : i32
        %dma_wait3A_1379 = arith.constant 0 : i32
        %dma_wait3A_1380 = tpu.memref_slice %arg4[%dma_wait3A_1378, %dma_wait3A_1379] : memref<819200x24xf32, #tpu.memory_space<hbm>> -> memref<128x24xf32, #tpu.memory_space<hbm>>
        %dma_wait3A_1381 = arith.constant 0 : i32
        %dma_wait3A_1382 = arith.constant 0 : i32
        %dma_wait3A_1383 = tpu.memref_slice %arg4[%dma_wait3A_1381, %dma_wait3A_1382] : memref<819200x24xf32, #tpu.memory_space<hbm>> -> memref<128x24xf32, #tpu.memory_space<hbm>>
        tpu.wait_dma2 semaphore(%arg7 : memref<!tpu.dma_semaphore, #tpu.memory_space<semaphore_mem>>) src(%arg10 : memref<128x24xf32, #tpu.memory_space<vmem>>) dst(%dma_wait3A_1383 : memref<128x24xf32, #tpu.memory_space<hbm>>)
        %dma_wait3A_1384 = arith.constant 0 : i32
        %dma_wait3A_1385 = arith.constant 0 : i32
        %dma_wait3A_1386 = tpu.memref_slice %arg4[%dma_wait3A_1384, %dma_wait3A_1385] : memref<819200x24xf32, #tpu.memory_space<hbm>> -> memref<128x24xf32, #tpu.memory_space<hbm>>
        %dma_wait3A_1387 = arith.constant 0 : i32
        %dma_wait3A_1388 = arith.constant 0 : i32
        %dma_wait3A_1389 = tpu.memref_slice %arg4[%dma_wait3A_1387, %dma_wait3A_1388] : memref<819200x24xf32, #tpu.memory_space<hbm>> -> memref<128x24xf32, #tpu.memory_space<hbm>>
        tpu.wait_dma2 semaphore(%arg7 : memref<!tpu.dma_semaphore, #tpu.memory_space<semaphore_mem>>) src(%arg11 : memref<128x24xf32, #tpu.memory_space<vmem>>) dst(%dma_wait3A_1389 : memref<128x24xf32, #tpu.memory_space<hbm>>)
        %dma_wait3A_1390 = arith.constant 0 : i32
        %dma_wait3A_1391 = arith.constant 0 : i32
        %dma_wait3A_1392 = tpu.memref_slice %arg4[%dma_wait3A_1390, %dma_wait3A_1391] : memref<819200x24xf32, #tpu.memory_space<hbm>> -> memref<128x24xf32, #tpu.memory_space<hbm>>
        %dma_wait3A_1393 = arith.constant 0 : i32
        %dma_wait3A_1394 = arith.constant 0 : i32
        %dma_wait3A_1395 = tpu.memref_slice %arg4[%dma_wait3A_1393, %dma_wait3A_1394] : memref<819200x24xf32, #tpu.memory_space<hbm>> -> memref<128x24xf32, #tpu.memory_space<hbm>>
        tpu.wait_dma2 semaphore(%arg7 : memref<!tpu.dma_semaphore, #tpu.memory_space<semaphore_mem>>) src(%arg12 : memref<128x24xf32, #tpu.memory_space<vmem>>) dst(%dma_wait3A_1395 : memref<128x24xf32, #tpu.memory_space<hbm>>)
        %dma_wait3A_1396 = arith.constant 0 : i32
        %dma_wait3A_1397 = arith.constant 0 : i32
        %dma_wait3A_1398 = tpu.memref_slice %arg4[%dma_wait3A_1396, %dma_wait3A_1397] : memref<819200x24xf32, #tpu.memory_space<hbm>> -> memref<128x24xf32, #tpu.memory_space<hbm>>
        %dma_wait3A_1399 = arith.constant 0 : i32
        %dma_wait3A_1400 = arith.constant 0 : i32
        %dma_wait3A_1401 = tpu.memref_slice %arg4[%dma_wait3A_1399, %dma_wait3A_1400] : memref<819200x24xf32, #tpu.memory_space<hbm>> -> memref<128x24xf32, #tpu.memory_space<hbm>>
        tpu.wait_dma2 semaphore(%arg7 : memref<!tpu.dma_semaphore, #tpu.memory_space<semaphore_mem>>) src(%arg13 : memref<128x24xf32, #tpu.memory_space<vmem>>) dst(%dma_wait3A_1401 : memref<128x24xf32, #tpu.memory_space<hbm>>)
        %dma_wait3A_1402 = arith.constant 0 : i32
        %dma_wait3A_1403 = arith.constant 0 : i32
        %dma_wait3A_1404 = tpu.memref_slice %arg4[%dma_wait3A_1402, %dma_wait3A_1403] : memref<819200x24xf32, #tpu.memory_space<hbm>> -> memref<128x24xf32, #tpu.memory_space<hbm>>
        %dma_wait3A_1405 = arith.constant 0 : i32
        %dma_wait3A_1406 = arith.constant 0 : i32
        %dma_wait3A_1407 = tpu.memref_slice %arg4[%dma_wait3A_1405, %dma_wait3A_1406] : memref<819200x24xf32, #tpu.memory_space<hbm>> -> memref<128x24xf32, #tpu.memory_space<hbm>>
        tpu.wait_dma2 semaphore(%arg7 : memref<!tpu.dma_semaphore, #tpu.memory_space<semaphore_mem>>) src(%arg14 : memref<128x24xf32, #tpu.memory_space<vmem>>) dst(%dma_wait3A_1407 : memref<128x24xf32, #tpu.memory_space<hbm>>)
        %dma_wait3A_1408 = arith.constant 0 : i32
        %dma_wait3A_1409 = arith.constant 0 : i32
        %dma_wait3A_1410 = tpu.memref_slice %arg4[%dma_wait3A_1408, %dma_wait3A_1409] : memref<819200x24xf32, #tpu.memory_space<hbm>> -> memref<128x24xf32, #tpu.memory_space<hbm>>
        %dma_wait3A_1411 = arith.constant 0 : i32
        %dma_wait3A_1412 = arith.constant 0 : i32
        %dma_wait3A_1413 = tpu.memref_slice %arg4[%dma_wait3A_1411, %dma_wait3A_1412] : memref<819200x24xf32, #tpu.memory_space<hbm>> -> memref<128x24xf32, #tpu.memory_space<hbm>>
        tpu.wait_dma2 semaphore(%arg7 : memref<!tpu.dma_semaphore, #tpu.memory_space<semaphore_mem>>) src(%arg15 : memref<128x24xf32, #tpu.memory_space<vmem>>) dst(%dma_wait3A_1413 : memref<128x24xf32, #tpu.memory_space<hbm>>)
        %dma_wait3A_1414 = arith.constant 0 : i32
        %dma_wait3A_1415 = arith.constant 0 : i32
        %dma_wait3A_1416 = tpu.memref_slice %arg4[%dma_wait3A_1414, %dma_wait3A_1415] : memref<819200x24xf32, #tpu.memory_space<hbm>> -> memref<128x24xf32, #tpu.memory_space<hbm>>
        %dma_wait3A_1417 = arith.constant 0 : i32
        %dma_wait3A_1418 = arith.constant 0 : i32
        %dma_wait3A_1419 = tpu.memref_slice %arg4[%dma_wait3A_1417, %dma_wait3A_1418] : memref<819200x24xf32, #tpu.memory_space<hbm>> -> memref<128x24xf32, #tpu.memory_space<hbm>>
        tpu.wait_dma2 semaphore(%arg7 : memref<!tpu.dma_semaphore, #tpu.memory_space<semaphore_mem>>) src(%arg16 : memref<128x24xf32, #tpu.memory_space<vmem>>) dst(%dma_wait3A_1419 : memref<128x24xf32, #tpu.memory_space<hbm>>)
        %dma_wait3A_1420 = arith.constant 0 : i32
        %dma_wait3A_1421 = arith.constant 0 : i32
        %dma_wait3A_1422 = tpu.memref_slice %arg4[%dma_wait3A_1420, %dma_wait3A_1421] : memref<819200x24xf32, #tpu.memory_space<hbm>> -> memref<128x24xf32, #tpu.memory_space<hbm>>
        %dma_wait3A_1423 = arith.constant 0 : i32
        %dma_wait3A_1424 = arith.constant 0 : i32
        %dma_wait3A_1425 = tpu.memref_slice %arg4[%dma_wait3A_1423, %dma_wait3A_1424] : memref<819200x24xf32, #tpu.memory_space<hbm>> -> memref<128x24xf32, #tpu.memory_space<hbm>>
        tpu.wait_dma2 semaphore(%arg7 : memref<!tpu.dma_semaphore, #tpu.memory_space<semaphore_mem>>) src(%arg17 : memref<128x24xf32, #tpu.memory_space<vmem>>) dst(%dma_wait3A_1425 : memref<128x24xf32, #tpu.memory_space<hbm>>)
        %dma_wait3A_1426 = arith.constant 0 : i32
        %dma_wait3A_1427 = arith.constant 0 : i32
        %dma_wait3A_1428 = tpu.memref_slice %arg4[%dma_wait3A_1426, %dma_wait3A_1427] : memref<819200x24xf32, #tpu.memory_space<hbm>> -> memref<128x24xf32, #tpu.memory_space<hbm>>
        %dma_wait3A_1429 = arith.constant 0 : i32
        %dma_wait3A_1430 = arith.constant 0 : i32
        %dma_wait3A_1431 = tpu.memref_slice %arg4[%dma_wait3A_1429, %dma_wait3A_1430] : memref<819200x24xf32, #tpu.memory_space<hbm>> -> memref<128x24xf32, #tpu.memory_space<hbm>>
        tpu.wait_dma2 semaphore(%arg7 : memref<!tpu.dma_semaphore, #tpu.memory_space<semaphore_mem>>) src(%arg18 : memref<128x24xf32, #tpu.memory_space<vmem>>) dst(%dma_wait3A_1431 : memref<128x24xf32, #tpu.memory_space<hbm>>)
        %dma_wait3A_1432 = arith.constant 0 : i32
        %dma_wait3A_1433 = arith.constant 0 : i32
        %dma_wait3A_1434 = tpu.memref_slice %arg4[%dma_wait3A_1432, %dma_wait3A_1433] : memref<819200x24xf32, #tpu.memory_space<hbm>> -> memref<128x24xf32, #tpu.memory_space<hbm>>
        %dma_wait3A_1435 = arith.constant 0 : i32
        %dma_wait3A_1436 = arith.constant 0 : i32
        %dma_wait3A_1437 = tpu.memref_slice %arg4[%dma_wait3A_1435, %dma_wait3A_1436] : memref<819200x24xf32, #tpu.memory_space<hbm>> -> memref<128x24xf32, #tpu.memory_space<hbm>>
        tpu.wait_dma2 semaphore(%arg7 : memref<!tpu.dma_semaphore, #tpu.memory_space<semaphore_mem>>) src(%arg19 : memref<128x24xf32, #tpu.memory_space<vmem>>) dst(%dma_wait3A_1437 : memref<128x24xf32, #tpu.memory_space<hbm>>)
        %dma_wait3A_1438 = arith.constant 0 : i32
        %dma_wait3A_1439 = arith.constant 0 : i32
        %dma_wait3A_1440 = tpu.memref_slice %arg4[%dma_wait3A_1438, %dma_wait3A_1439] : memref<819200x24xf32, #tpu.memory_space<hbm>> -> memref<128x24xf32, #tpu.memory_space<hbm>>
        %dma_wait3A_1441 = arith.constant 0 : i32
        %dma_wait3A_1442 = arith.constant 0 : i32
        %dma_wait3A_1443 = tpu.memref_slice %arg4[%dma_wait3A_1441, %dma_wait3A_1442] : memref<819200x24xf32, #tpu.memory_space<hbm>> -> memref<128x24xf32, #tpu.memory_space<hbm>>
        tpu.wait_dma2 semaphore(%arg7 : memref<!tpu.dma_semaphore, #tpu.memory_space<semaphore_mem>>) src(%arg20 : memref<128x24xf32, #tpu.memory_space<vmem>>) dst(%dma_wait3A_1443 : memref<128x24xf32, #tpu.memory_space<hbm>>)
        %dma_wait3A_1444 = arith.constant 0 : i32
        %dma_wait3A_1445 = arith.constant 0 : i32
        %dma_wait3A_1446 = tpu.memref_slice %arg4[%dma_wait3A_1444, %dma_wait3A_1445] : memref<819200x24xf32, #tpu.memory_space<hbm>> -> memref<128x24xf32, #tpu.memory_space<hbm>>
        %dma_wait3A_1447 = arith.constant 0 : i32
        %dma_wait3A_1448 = arith.constant 0 : i32
        %dma_wait3A_1449 = tpu.memref_slice %arg4[%dma_wait3A_1447, %dma_wait3A_1448] : memref<819200x24xf32, #tpu.memory_space<hbm>> -> memref<128x24xf32, #tpu.memory_space<hbm>>
        tpu.wait_dma2 semaphore(%arg7 : memref<!tpu.dma_semaphore, #tpu.memory_space<semaphore_mem>>) src(%arg21 : memref<128x24xf32, #tpu.memory_space<vmem>>) dst(%dma_wait3A_1449 : memref<128x24xf32, #tpu.memory_space<hbm>>)
        %dma_wait3A_1450 = arith.constant 0 : i32
        %dma_wait3A_1451 = arith.constant 0 : i32
        %dma_wait3A_1452 = tpu.memref_slice %arg4[%dma_wait3A_1450, %dma_wait3A_1451] : memref<819200x24xf32, #tpu.memory_space<hbm>> -> memref<128x24xf32, #tpu.memory_space<hbm>>
        %dma_wait3A_1453 = arith.constant 0 : i32
        %dma_wait3A_1454 = arith.constant 0 : i32
        %dma_wait3A_1455 = tpu.memref_slice %arg4[%dma_wait3A_1453, %dma_wait3A_1454] : memref<819200x24xf32, #tpu.memory_space<hbm>> -> memref<128x24xf32, #tpu.memory_space<hbm>>
        tpu.wait_dma2 semaphore(%arg7 : memref<!tpu.dma_semaphore, #tpu.memory_space<semaphore_mem>>) src(%arg22 : memref<128x24xf32, #tpu.memory_space<vmem>>) dst(%dma_wait3A_1455 : memref<128x24xf32, #tpu.memory_space<hbm>>)
        %dma_wait3A_1456 = arith.constant 0 : i32
        %dma_wait3A_1457 = arith.constant 0 : i32
        %dma_wait3A_1458 = tpu.memref_slice %arg4[%dma_wait3A_1456, %dma_wait3A_1457] : memref<819200x24xf32, #tpu.memory_space<hbm>> -> memref<128x24xf32, #tpu.memory_space<hbm>>
        %dma_wait3A_1459 = arith.constant 0 : i32
        %dma_wait3A_1460 = arith.constant 0 : i32
        %dma_wait3A_1461 = tpu.memref_slice %arg4[%dma_wait3A_1459, %dma_wait3A_1460] : memref<819200x24xf32, #tpu.memory_space<hbm>> -> memref<128x24xf32, #tpu.memory_space<hbm>>
        tpu.wait_dma2 semaphore(%arg7 : memref<!tpu.dma_semaphore, #tpu.memory_space<semaphore_mem>>) src(%arg23 : memref<128x24xf32, #tpu.memory_space<vmem>>) dst(%dma_wait3A_1461 : memref<128x24xf32, #tpu.memory_space<hbm>>)
        %dma_wait3A_1462 = arith.constant 0 : i32
        %dma_wait3A_1463 = arith.constant 0 : i32
        %dma_wait3A_1464 = tpu.memref_slice %arg4[%dma_wait3A_1462, %dma_wait3A_1463] : memref<819200x24xf32, #tpu.memory_space<hbm>> -> memref<128x24xf32, #tpu.memory_space<hbm>>
        %dma_wait3A_1465 = arith.constant 0 : i32
        %dma_wait3A_1466 = arith.constant 0 : i32
        %dma_wait3A_1467 = tpu.memref_slice %arg4[%dma_wait3A_1465, %dma_wait3A_1466] : memref<819200x24xf32, #tpu.memory_space<hbm>> -> memref<128x24xf32, #tpu.memory_space<hbm>>
        tpu.wait_dma2 semaphore(%arg7 : memref<!tpu.dma_semaphore, #tpu.memory_space<semaphore_mem>>) src(%arg24 : memref<128x24xf32, #tpu.memory_space<vmem>>) dst(%dma_wait3A_1467 : memref<128x24xf32, #tpu.memory_space<hbm>>)
        %dma_wait3A_1468 = arith.constant 0 : i32
        %dma_wait3A_1469 = arith.constant 0 : i32
        %dma_wait3A_1470 = tpu.memref_slice %arg4[%dma_wait3A_1468, %dma_wait3A_1469] : memref<819200x24xf32, #tpu.memory_space<hbm>> -> memref<128x24xf32, #tpu.memory_space<hbm>>
        %dma_wait3A_1471 = arith.constant 0 : i32
        %dma_wait3A_1472 = arith.constant 0 : i32
        %dma_wait3A_1473 = tpu.memref_slice %arg4[%dma_wait3A_1471, %dma_wait3A_1472] : memref<819200x24xf32, #tpu.memory_space<hbm>> -> memref<128x24xf32, #tpu.memory_space<hbm>>
        tpu.wait_dma2 semaphore(%arg7 : memref<!tpu.dma_semaphore, #tpu.memory_space<semaphore_mem>>) src(%arg25 : memref<128x24xf32, #tpu.memory_space<vmem>>) dst(%dma_wait3A_1473 : memref<128x24xf32, #tpu.memory_space<hbm>>)
        %dma_wait3A_1474 = arith.constant 0 : i32
        %dma_wait3A_1475 = arith.constant 0 : i32
        %dma_wait3A_1476 = tpu.memref_slice %arg4[%dma_wait3A_1474, %dma_wait3A_1475] : memref<819200x24xf32, #tpu.memory_space<hbm>> -> memref<128x24xf32, #tpu.memory_space<hbm>>
        %dma_wait3A_1477 = arith.constant 0 : i32
        %dma_wait3A_1478 = arith.constant 0 : i32
        %dma_wait3A_1479 = tpu.memref_slice %arg4[%dma_wait3A_1477, %dma_wait3A_1478] : memref<819200x24xf32, #tpu.memory_space<hbm>> -> memref<128x24xf32, #tpu.memory_space<hbm>>
        tpu.wait_dma2 semaphore(%arg7 : memref<!tpu.dma_semaphore, #tpu.memory_space<semaphore_mem>>) src(%arg26 : memref<128x24xf32, #tpu.memory_space<vmem>>) dst(%dma_wait3A_1479 : memref<128x24xf32, #tpu.memory_space<hbm>>)
        %dma_wait3A_1480 = arith.constant 0 : i32
        %dma_wait3A_1481 = arith.constant 0 : i32
        %dma_wait3A_1482 = tpu.memref_slice %arg4[%dma_wait3A_1480, %dma_wait3A_1481] : memref<819200x24xf32, #tpu.memory_space<hbm>> -> memref<128x24xf32, #tpu.memory_space<hbm>>
        %dma_wait3A_1483 = arith.constant 0 : i32
        %dma_wait3A_1484 = arith.constant 0 : i32
        %dma_wait3A_1485 = tpu.memref_slice %arg4[%dma_wait3A_1483, %dma_wait3A_1484] : memref<819200x24xf32, #tpu.memory_space<hbm>> -> memref<128x24xf32, #tpu.memory_space<hbm>>
        tpu.wait_dma2 semaphore(%arg7 : memref<!tpu.dma_semaphore, #tpu.memory_space<semaphore_mem>>) src(%arg27 : memref<128x24xf32, #tpu.memory_space<vmem>>) dst(%dma_wait3A_1485 : memref<128x24xf32, #tpu.memory_space<hbm>>)
      } else {
      }
      %mul3A_130 = arith.constant 20 : i32
      %mul3A_131 = arith.muli %scan3A_127, %mul3A_130 : i32
      %add3A_132 = arith.constant 0 : i32
      %add3A_133 = arith.addi %mul3A_131, %add3A_132 : i32
      %jit3A = arith.constant 8 : i32
      %div3A = arith.divsi %add3A_133, %jit3A : i32
      %sign3A = arith.constant 0 : i32
      %sign3A_134 = arith.cmpi sgt, %add3A_133, %sign3A : i32
      %sign3A_135 = arith.extui %sign3A_134 : i1 to i32
      %sign3A_136 = arith.constant 0 : i32
      %sign3A_137 = arith.cmpi slt, %add3A_133, %sign3A_136 : i32
      %sign3A_138 = arith.extui %sign3A_137 : i1 to i32
      %sign3A_139 = arith.subi %sign3A_135, %sign3A_138 : i32
      %sign3A_140 = arith.constant 0 : i32
      %sign3A_141 = arith.cmpi sgt, %jit3A, %sign3A_140 : i32
      %sign3A_142 = arith.extui %sign3A_141 : i1 to i32
      %sign3A_143 = arith.constant 0 : i32
      %sign3A_144 = arith.cmpi slt, %jit3A, %sign3A_143 : i32
      %sign3A_145 = arith.extui %sign3A_144 : i1 to i32
      %sign3A_146 = arith.subi %sign3A_142, %sign3A_145 : i32
      %ne3A = arith.cmpi ne, %sign3A_139, %sign3A_146 : i32
      %rem3A = arith.remsi %add3A_133, %jit3A : i32
      %ne3A_147 = arith.constant 0 : i32
      %ne3A_148 = arith.cmpi ne, %rem3A, %ne3A_147 : i32
      %and3A = arith.andi %ne3A, %ne3A_148 : i1
      %sub3A = arith.constant 1 : i32
      %sub3A_149 = arith.subi %div3A, %sub3A : i32
      %select_n3A = arith.select %and3A, %sub3A_149, %div3A : i32
      %add3A_150 = arith.constant 0 : i32
      %add3A_151 = arith.addi %mul3A_131, %add3A_150 : i32
      %jit3A_152 = arith.constant 8 : i32
      %eq3A = arith.constant 0 : i32
      %eq3A_153 = arith.cmpi eq, %jit3A_152, %eq3A : i32
      %jit3A_154 = arith.constant 1 : i32
      %select_n3A_155 = arith.select %eq3A_153, %jit3A_154, %jit3A_152 : i32
      %rem3A_156 = arith.remsi %add3A_151, %select_n3A_155 : i32
      %ne3A_157 = arith.constant 0 : i32
      %ne3A_158 = arith.cmpi ne, %rem3A_156, %ne3A_157 : i32
      %lt3A = arith.constant 0 : i32
      %lt3A_159 = arith.cmpi slt, %rem3A_156, %lt3A : i32
      %lt3A_160 = arith.constant 0 : i32
      %lt3A_161 = arith.cmpi slt, %select_n3A_155, %lt3A_160 : i32
      %ne3A_162 = arith.xori %lt3A_159, %lt3A_161 : i1
      %and3A_163 = arith.andi %ne3A_162, %ne3A_158 : i1
      %add3A_164 = arith.addi %rem3A_156, %select_n3A_155 : i32
      %select_n3A_165 = arith.select %and3A_163, %add3A_164, %rem3A_156 : i32
      %dma_start3A = arith.constant 0 : i32
      %dma_start3A_166 = tpu.memref_slice %arg5[%select_n3A, %select_n3A_165, %dma_start3A] : memref<25x8x128xi32, #tpu.memory_space<vmem>> -> memref<1x1x128xi32, #tpu.memory_space<vmem>>
      %dma_start3A_167 = tpu.memref_squeeze %dma_start3A_166 : memref<1x1x128xi32, #tpu.memory_space<vmem>> -> memref<128xi32, #tpu.memory_space<vmem>>
      %dma_start3A_168 = arith.constant 0 : i32
      %dma_start3A_169 = arith.constant 0 : i32
      %dma_start3A_170 = tpu.memref_slice %arg3[%dma_start3A_168, %dma_start3A_169] : memref<5376x24xf32, #tpu.memory_space<hbm>> -> memref<5376x24xf32, #tpu.memory_space<hbm>>
      tpu.enqueue_indirect_dma source(%dma_start3A_170 : memref<5376x24xf32, #tpu.memory_space<hbm>>) target(%arg8 : memref<128x24xf32, #tpu.memory_space<vmem>>) offsets(%dma_start3A_167 : memref<128xi32, #tpu.memory_space<vmem>>) semaphore(%arg6 : memref<!tpu.dma_semaphore, #tpu.memory_space<semaphore_mem>>)
      %add3A_171 = arith.constant 1 : i32
      %add3A_172 = arith.addi %mul3A_131, %add3A_171 : i32
      %jit3A_173 = arith.constant 8 : i32
      %div3A_174 = arith.divsi %add3A_172, %jit3A_173 : i32
      %sign3A_175 = arith.constant 0 : i32
      %sign3A_176 = arith.cmpi sgt, %add3A_172, %sign3A_175 : i32
      %sign3A_177 = arith.extui %sign3A_176 : i1 to i32
      %sign3A_178 = arith.constant 0 : i32
      %sign3A_179 = arith.cmpi slt, %add3A_172, %sign3A_178 : i32
      %sign3A_180 = arith.extui %sign3A_179 : i1 to i32
      %sign3A_181 = arith.subi %sign3A_177, %sign3A_180 : i32
      %sign3A_182 = arith.constant 0 : i32
      %sign3A_183 = arith.cmpi sgt, %jit3A_173, %sign3A_182 : i32
      %sign3A_184 = arith.extui %sign3A_183 : i1 to i32
      %sign3A_185 = arith.constant 0 : i32
      %sign3A_186 = arith.cmpi slt, %jit3A_173, %sign3A_185 : i32
      %sign3A_187 = arith.extui %sign3A_186 : i1 to i32
      %sign3A_188 = arith.subi %sign3A_184, %sign3A_187 : i32
      %ne3A_189 = arith.cmpi ne, %sign3A_181, %sign3A_188 : i32
      %rem3A_190 = arith.remsi %add3A_172, %jit3A_173 : i32
      %ne3A_191 = arith.constant 0 : i32
      %ne3A_192 = arith.cmpi ne, %rem3A_190, %ne3A_191 : i32
      %and3A_193 = arith.andi %ne3A_189, %ne3A_192 : i1
      %sub3A_194 = arith.constant 1 : i32
      %sub3A_195 = arith.subi %div3A_174, %sub3A_194 : i32
      %select_n3A_196 = arith.select %and3A_193, %sub3A_195, %div3A_174 : i32
      %add3A_197 = arith.constant 1 : i32
      %add3A_198 = arith.addi %mul3A_131, %add3A_197 : i32
      %jit3A_199 = arith.constant 8 : i32
      %eq3A_200 = arith.constant 0 : i32
      %eq3A_201 = arith.cmpi eq, %jit3A_199, %eq3A_200 : i32
      %jit3A_202 = arith.constant 1 : i32
      %select_n3A_203 = arith.select %eq3A_201, %jit3A_202, %jit3A_199 : i32
      %rem3A_204 = arith.remsi %add3A_198, %select_n3A_203 : i32
      %ne3A_205 = arith.constant 0 : i32
      %ne3A_206 = arith.cmpi ne, %rem3A_204, %ne3A_205 : i32
      %lt3A_207 = arith.constant 0 : i32
      %lt3A_208 = arith.cmpi slt, %rem3A_204, %lt3A_207 : i32
      %lt3A_209 = arith.constant 0 : i32
      %lt3A_210 = arith.cmpi slt, %select_n3A_203, %lt3A_209 : i32
      %ne3A_211 = arith.xori %lt3A_208, %lt3A_210 : i1
      %and3A_212 = arith.andi %ne3A_211, %ne3A_206 : i1
      %add3A_213 = arith.addi %rem3A_204, %select_n3A_203 : i32
      %select_n3A_214 = arith.select %and3A_212, %add3A_213, %rem3A_204 : i32
      %dma_start3A_215 = arith.constant 0 : i32
      %dma_start3A_216 = tpu.memref_slice %arg5[%select_n3A_196, %select_n3A_214, %dma_start3A_215] : memref<25x8x128xi32, #tpu.memory_space<vmem>> -> memref<1x1x128xi32, #tpu.memory_space<vmem>>
      %dma_start3A_217 = tpu.memref_squeeze %dma_start3A_216 : memref<1x1x128xi32, #tpu.memory_space<vmem>> -> memref<128xi32, #tpu.memory_space<vmem>>
      %dma_start3A_218 = arith.constant 0 : i32
      %dma_start3A_219 = arith.constant 0 : i32
      %dma_start3A_220 = tpu.memref_slice %arg3[%dma_start3A_218, %dma_start3A_219] : memref<5376x24xf32, #tpu.memory_space<hbm>> -> memref<5376x24xf32, #tpu.memory_space<hbm>>
      tpu.enqueue_indirect_dma source(%dma_start3A_220 : memref<5376x24xf32, #tpu.memory_space<hbm>>) target(%arg9 : memref<128x24xf32, #tpu.memory_space<vmem>>) offsets(%dma_start3A_217 : memref<128xi32, #tpu.memory_space<vmem>>) semaphore(%arg6 : memref<!tpu.dma_semaphore, #tpu.memory_space<semaphore_mem>>)
      %add3A_221 = arith.constant 2 : i32
      %add3A_222 = arith.addi %mul3A_131, %add3A_221 : i32
      %jit3A_223 = arith.constant 8 : i32
      %div3A_224 = arith.divsi %add3A_222, %jit3A_223 : i32
      %sign3A_225 = arith.constant 0 : i32
      %sign3A_226 = arith.cmpi sgt, %add3A_222, %sign3A_225 : i32
      %sign3A_227 = arith.extui %sign3A_226 : i1 to i32
      %sign3A_228 = arith.constant 0 : i32
      %sign3A_229 = arith.cmpi slt, %add3A_222, %sign3A_228 : i32
      %sign3A_230 = arith.extui %sign3A_229 : i1 to i32
      %sign3A_231 = arith.subi %sign3A_227, %sign3A_230 : i32
      %sign3A_232 = arith.constant 0 : i32
      %sign3A_233 = arith.cmpi sgt, %jit3A_223, %sign3A_232 : i32
      %sign3A_234 = arith.extui %sign3A_233 : i1 to i32
      %sign3A_235 = arith.constant 0 : i32
      %sign3A_236 = arith.cmpi slt, %jit3A_223, %sign3A_235 : i32
      %sign3A_237 = arith.extui %sign3A_236 : i1 to i32
      %sign3A_238 = arith.subi %sign3A_234, %sign3A_237 : i32
      %ne3A_239 = arith.cmpi ne, %sign3A_231, %sign3A_238 : i32
      %rem3A_240 = arith.remsi %add3A_222, %jit3A_223 : i32
      %ne3A_241 = arith.constant 0 : i32
      %ne3A_242 = arith.cmpi ne, %rem3A_240, %ne3A_241 : i32
      %and3A_243 = arith.andi %ne3A_239, %ne3A_242 : i1
      %sub3A_244 = arith.constant 1 : i32
      %sub3A_245 = arith.subi %div3A_224, %sub3A_244 : i32
      %select_n3A_246 = arith.select %and3A_243, %sub3A_245, %div3A_224 : i32
      %add3A_247 = arith.constant 2 : i32
      %add3A_248 = arith.addi %mul3A_131, %add3A_247 : i32
      %jit3A_249 = arith.constant 8 : i32
      %eq3A_250 = arith.constant 0 : i32
      %eq3A_251 = arith.cmpi eq, %jit3A_249, %eq3A_250 : i32
      %jit3A_252 = arith.constant 1 : i32
      %select_n3A_253 = arith.select %eq3A_251, %jit3A_252, %jit3A_249 : i32
      %rem3A_254 = arith.remsi %add3A_248, %select_n3A_253 : i32
      %ne3A_255 = arith.constant 0 : i32
      %ne3A_256 = arith.cmpi ne, %rem3A_254, %ne3A_255 : i32
      %lt3A_257 = arith.constant 0 : i32
      %lt3A_258 = arith.cmpi slt, %rem3A_254, %lt3A_257 : i32
      %lt3A_259 = arith.constant 0 : i32
      %lt3A_260 = arith.cmpi slt, %select_n3A_253, %lt3A_259 : i32
      %ne3A_261 = arith.xori %lt3A_258, %lt3A_260 : i1
      %and3A_262 = arith.andi %ne3A_261, %ne3A_256 : i1
      %add3A_263 = arith.addi %rem3A_254, %select_n3A_253 : i32
      %select_n3A_264 = arith.select %and3A_262, %add3A_263, %rem3A_254 : i32
      %dma_start3A_265 = arith.constant 0 : i32
      %dma_start3A_266 = tpu.memref_slice %arg5[%select_n3A_246, %select_n3A_264, %dma_start3A_265] : memref<25x8x128xi32, #tpu.memory_space<vmem>> -> memref<1x1x128xi32, #tpu.memory_space<vmem>>
      %dma_start3A_267 = tpu.memref_squeeze %dma_start3A_266 : memref<1x1x128xi32, #tpu.memory_space<vmem>> -> memref<128xi32, #tpu.memory_space<vmem>>
      %dma_start3A_268 = arith.constant 0 : i32
      %dma_start3A_269 = arith.constant 0 : i32
      %dma_start3A_270 = tpu.memref_slice %arg3[%dma_start3A_268, %dma_start3A_269] : memref<5376x24xf32, #tpu.memory_space<hbm>> -> memref<5376x24xf32, #tpu.memory_space<hbm>>
      tpu.enqueue_indirect_dma source(%dma_start3A_270 : memref<5376x24xf32, #tpu.memory_space<hbm>>) target(%arg10 : memref<128x24xf32, #tpu.memory_space<vmem>>) offsets(%dma_start3A_267 : memref<128xi32, #tpu.memory_space<vmem>>) semaphore(%arg6 : memref<!tpu.dma_semaphore, #tpu.memory_space<semaphore_mem>>)
      %add3A_271 = arith.constant 3 : i32
      %add3A_272 = arith.addi %mul3A_131, %add3A_271 : i32
      %jit3A_273 = arith.constant 8 : i32
      %div3A_274 = arith.divsi %add3A_272, %jit3A_273 : i32
      %sign3A_275 = arith.constant 0 : i32
      %sign3A_276 = arith.cmpi sgt, %add3A_272, %sign3A_275 : i32
      %sign3A_277 = arith.extui %sign3A_276 : i1 to i32
      %sign3A_278 = arith.constant 0 : i32
      %sign3A_279 = arith.cmpi slt, %add3A_272, %sign3A_278 : i32
      %sign3A_280 = arith.extui %sign3A_279 : i1 to i32
      %sign3A_281 = arith.subi %sign3A_277, %sign3A_280 : i32
      %sign3A_282 = arith.constant 0 : i32
      %sign3A_283 = arith.cmpi sgt, %jit3A_273, %sign3A_282 : i32
      %sign3A_284 = arith.extui %sign3A_283 : i1 to i32
      %sign3A_285 = arith.constant 0 : i32
      %sign3A_286 = arith.cmpi slt, %jit3A_273, %sign3A_285 : i32
      %sign3A_287 = arith.extui %sign3A_286 : i1 to i32
      %sign3A_288 = arith.subi %sign3A_284, %sign3A_287 : i32
      %ne3A_289 = arith.cmpi ne, %sign3A_281, %sign3A_288 : i32
      %rem3A_290 = arith.remsi %add3A_272, %jit3A_273 : i32
      %ne3A_291 = arith.constant 0 : i32
      %ne3A_292 = arith.cmpi ne, %rem3A_290, %ne3A_291 : i32
      %and3A_293 = arith.andi %ne3A_289, %ne3A_292 : i1
      %sub3A_294 = arith.constant 1 : i32
      %sub3A_295 = arith.subi %div3A_274, %sub3A_294 : i32
      %select_n3A_296 = arith.select %and3A_293, %sub3A_295, %div3A_274 : i32
      %add3A_297 = arith.constant 3 : i32
      %add3A_298 = arith.addi %mul3A_131, %add3A_297 : i32
      %jit3A_299 = arith.constant 8 : i32
      %eq3A_300 = arith.constant 0 : i32
      %eq3A_301 = arith.cmpi eq, %jit3A_299, %eq3A_300 : i32
      %jit3A_302 = arith.constant 1 : i32
      %select_n3A_303 = arith.select %eq3A_301, %jit3A_302, %jit3A_299 : i32
      %rem3A_304 = arith.remsi %add3A_298, %select_n3A_303 : i32
      %ne3A_305 = arith.constant 0 : i32
      %ne3A_306 = arith.cmpi ne, %rem3A_304, %ne3A_305 : i32
      %lt3A_307 = arith.constant 0 : i32
      %lt3A_308 = arith.cmpi slt, %rem3A_304, %lt3A_307 : i32
      %lt3A_309 = arith.constant 0 : i32
      %lt3A_310 = arith.cmpi slt, %select_n3A_303, %lt3A_309 : i32
      %ne3A_311 = arith.xori %lt3A_308, %lt3A_310 : i1
      %and3A_312 = arith.andi %ne3A_311, %ne3A_306 : i1
      %add3A_313 = arith.addi %rem3A_304, %select_n3A_303 : i32
      %select_n3A_314 = arith.select %and3A_312, %add3A_313, %rem3A_304 : i32
      %dma_start3A_315 = arith.constant 0 : i32
      %dma_start3A_316 = tpu.memref_slice %arg5[%select_n3A_296, %select_n3A_314, %dma_start3A_315] : memref<25x8x128xi32, #tpu.memory_space<vmem>> -> memref<1x1x128xi32, #tpu.memory_space<vmem>>
      %dma_start3A_317 = tpu.memref_squeeze %dma_start3A_316 : memref<1x1x128xi32, #tpu.memory_space<vmem>> -> memref<128xi32, #tpu.memory_space<vmem>>
      %dma_start3A_318 = arith.constant 0 : i32
      %dma_start3A_319 = arith.constant 0 : i32
      %dma_start3A_320 = tpu.memref_slice %arg3[%dma_start3A_318, %dma_start3A_319] : memref<5376x24xf32, #tpu.memory_space<hbm>> -> memref<5376x24xf32, #tpu.memory_space<hbm>>
      tpu.enqueue_indirect_dma source(%dma_start3A_320 : memref<5376x24xf32, #tpu.memory_space<hbm>>) target(%arg11 : memref<128x24xf32, #tpu.memory_space<vmem>>) offsets(%dma_start3A_317 : memref<128xi32, #tpu.memory_space<vmem>>) semaphore(%arg6 : memref<!tpu.dma_semaphore, #tpu.memory_space<semaphore_mem>>)
      %add3A_321 = arith.constant 4 : i32
      %add3A_322 = arith.addi %mul3A_131, %add3A_321 : i32
      %jit3A_323 = arith.constant 8 : i32
      %div3A_324 = arith.divsi %add3A_322, %jit3A_323 : i32
      %sign3A_325 = arith.constant 0 : i32
      %sign3A_326 = arith.cmpi sgt, %add3A_322, %sign3A_325 : i32
      %sign3A_327 = arith.extui %sign3A_326 : i1 to i32
      %sign3A_328 = arith.constant 0 : i32
      %sign3A_329 = arith.cmpi slt, %add3A_322, %sign3A_328 : i32
      %sign3A_330 = arith.extui %sign3A_329 : i1 to i32
      %sign3A_331 = arith.subi %sign3A_327, %sign3A_330 : i32
      %sign3A_332 = arith.constant 0 : i32
      %sign3A_333 = arith.cmpi sgt, %jit3A_323, %sign3A_332 : i32
      %sign3A_334 = arith.extui %sign3A_333 : i1 to i32
      %sign3A_335 = arith.constant 0 : i32
      %sign3A_336 = arith.cmpi slt, %jit3A_323, %sign3A_335 : i32
      %sign3A_337 = arith.extui %sign3A_336 : i1 to i32
      %sign3A_338 = arith.subi %sign3A_334, %sign3A_337 : i32
      %ne3A_339 = arith.cmpi ne, %sign3A_331, %sign3A_338 : i32
      %rem3A_340 = arith.remsi %add3A_322, %jit3A_323 : i32
      %ne3A_341 = arith.constant 0 : i32
      %ne3A_342 = arith.cmpi ne, %rem3A_340, %ne3A_341 : i32
      %and3A_343 = arith.andi %ne3A_339, %ne3A_342 : i1
      %sub3A_344 = arith.constant 1 : i32
      %sub3A_345 = arith.subi %div3A_324, %sub3A_344 : i32
      %select_n3A_346 = arith.select %and3A_343, %sub3A_345, %div3A_324 : i32
      %add3A_347 = arith.constant 4 : i32
      %add3A_348 = arith.addi %mul3A_131, %add3A_347 : i32
      %jit3A_349 = arith.constant 8 : i32
      %eq3A_350 = arith.constant 0 : i32
      %eq3A_351 = arith.cmpi eq, %jit3A_349, %eq3A_350 : i32
      %jit3A_352 = arith.constant 1 : i32
      %select_n3A_353 = arith.select %eq3A_351, %jit3A_352, %jit3A_349 : i32
      %rem3A_354 = arith.remsi %add3A_348, %select_n3A_353 : i32
      %ne3A_355 = arith.constant 0 : i32
      %ne3A_356 = arith.cmpi ne, %rem3A_354, %ne3A_355 : i32
      %lt3A_357 = arith.constant 0 : i32
      %lt3A_358 = arith.cmpi slt, %rem3A_354, %lt3A_357 : i32
      %lt3A_359 = arith.constant 0 : i32
      %lt3A_360 = arith.cmpi slt, %select_n3A_353, %lt3A_359 : i32
      %ne3A_361 = arith.xori %lt3A_358, %lt3A_360 : i1
      %and3A_362 = arith.andi %ne3A_361, %ne3A_356 : i1
      %add3A_363 = arith.addi %rem3A_354, %select_n3A_353 : i32
      %select_n3A_364 = arith.select %and3A_362, %add3A_363, %rem3A_354 : i32
      %dma_start3A_365 = arith.constant 0 : i32
      %dma_start3A_366 = tpu.memref_slice %arg5[%select_n3A_346, %select_n3A_364, %dma_start3A_365] : memref<25x8x128xi32, #tpu.memory_space<vmem>> -> memref<1x1x128xi32, #tpu.memory_space<vmem>>
      %dma_start3A_367 = tpu.memref_squeeze %dma_start3A_366 : memref<1x1x128xi32, #tpu.memory_space<vmem>> -> memref<128xi32, #tpu.memory_space<vmem>>
      %dma_start3A_368 = arith.constant 0 : i32
      %dma_start3A_369 = arith.constant 0 : i32
      %dma_start3A_370 = tpu.memref_slice %arg3[%dma_start3A_368, %dma_start3A_369] : memref<5376x24xf32, #tpu.memory_space<hbm>> -> memref<5376x24xf32, #tpu.memory_space<hbm>>
      tpu.enqueue_indirect_dma source(%dma_start3A_370 : memref<5376x24xf32, #tpu.memory_space<hbm>>) target(%arg12 : memref<128x24xf32, #tpu.memory_space<vmem>>) offsets(%dma_start3A_367 : memref<128xi32, #tpu.memory_space<vmem>>) semaphore(%arg6 : memref<!tpu.dma_semaphore, #tpu.memory_space<semaphore_mem>>)
      %add3A_371 = arith.constant 5 : i32
      %add3A_372 = arith.addi %mul3A_131, %add3A_371 : i32
      %jit3A_373 = arith.constant 8 : i32
      %div3A_374 = arith.divsi %add3A_372, %jit3A_373 : i32
      %sign3A_375 = arith.constant 0 : i32
      %sign3A_376 = arith.cmpi sgt, %add3A_372, %sign3A_375 : i32
      %sign3A_377 = arith.extui %sign3A_376 : i1 to i32
      %sign3A_378 = arith.constant 0 : i32
      %sign3A_379 = arith.cmpi slt, %add3A_372, %sign3A_378 : i32
      %sign3A_380 = arith.extui %sign3A_379 : i1 to i32
      %sign3A_381 = arith.subi %sign3A_377, %sign3A_380 : i32
      %sign3A_382 = arith.constant 0 : i32
      %sign3A_383 = arith.cmpi sgt, %jit3A_373, %sign3A_382 : i32
      %sign3A_384 = arith.extui %sign3A_383 : i1 to i32
      %sign3A_385 = arith.constant 0 : i32
      %sign3A_386 = arith.cmpi slt, %jit3A_373, %sign3A_385 : i32
      %sign3A_387 = arith.extui %sign3A_386 : i1 to i32
      %sign3A_388 = arith.subi %sign3A_384, %sign3A_387 : i32
      %ne3A_389 = arith.cmpi ne, %sign3A_381, %sign3A_388 : i32
      %rem3A_390 = arith.remsi %add3A_372, %jit3A_373 : i32
      %ne3A_391 = arith.constant 0 : i32
      %ne3A_392 = arith.cmpi ne, %rem3A_390, %ne3A_391 : i32
      %and3A_393 = arith.andi %ne3A_389, %ne3A_392 : i1
      %sub3A_394 = arith.constant 1 : i32
      %sub3A_395 = arith.subi %div3A_374, %sub3A_394 : i32
      %select_n3A_396 = arith.select %and3A_393, %sub3A_395, %div3A_374 : i32
      %add3A_397 = arith.constant 5 : i32
      %add3A_398 = arith.addi %mul3A_131, %add3A_397 : i32
      %jit3A_399 = arith.constant 8 : i32
      %eq3A_400 = arith.constant 0 : i32
      %eq3A_401 = arith.cmpi eq, %jit3A_399, %eq3A_400 : i32
      %jit3A_402 = arith.constant 1 : i32
      %select_n3A_403 = arith.select %eq3A_401, %jit3A_402, %jit3A_399 : i32
      %rem3A_404 = arith.remsi %add3A_398, %select_n3A_403 : i32
      %ne3A_405 = arith.constant 0 : i32
      %ne3A_406 = arith.cmpi ne, %rem3A_404, %ne3A_405 : i32
      %lt3A_407 = arith.constant 0 : i32
      %lt3A_408 = arith.cmpi slt, %rem3A_404, %lt3A_407 : i32
      %lt3A_409 = arith.constant 0 : i32
      %lt3A_410 = arith.cmpi slt, %select_n3A_403, %lt3A_409 : i32
      %ne3A_411 = arith.xori %lt3A_408, %lt3A_410 : i1
      %and3A_412 = arith.andi %ne3A_411, %ne3A_406 : i1
      %add3A_413 = arith.addi %rem3A_404, %select_n3A_403 : i32
      %select_n3A_414 = arith.select %and3A_412, %add3A_413, %rem3A_404 : i32
      %dma_start3A_415 = arith.constant 0 : i32
      %dma_start3A_416 = tpu.memref_slice %arg5[%select_n3A_396, %select_n3A_414, %dma_start3A_415] : memref<25x8x128xi32, #tpu.memory_space<vmem>> -> memref<1x1x128xi32, #tpu.memory_space<vmem>>
      %dma_start3A_417 = tpu.memref_squeeze %dma_start3A_416 : memref<1x1x128xi32, #tpu.memory_space<vmem>> -> memref<128xi32, #tpu.memory_space<vmem>>
      %dma_start3A_418 = arith.constant 0 : i32
      %dma_start3A_419 = arith.constant 0 : i32
      %dma_start3A_420 = tpu.memref_slice %arg3[%dma_start3A_418, %dma_start3A_419] : memref<5376x24xf32, #tpu.memory_space<hbm>> -> memref<5376x24xf32, #tpu.memory_space<hbm>>
      tpu.enqueue_indirect_dma source(%dma_start3A_420 : memref<5376x24xf32, #tpu.memory_space<hbm>>) target(%arg13 : memref<128x24xf32, #tpu.memory_space<vmem>>) offsets(%dma_start3A_417 : memref<128xi32, #tpu.memory_space<vmem>>) semaphore(%arg6 : memref<!tpu.dma_semaphore, #tpu.memory_space<semaphore_mem>>)
      %add3A_421 = arith.constant 6 : i32
      %add3A_422 = arith.addi %mul3A_131, %add3A_421 : i32
      %jit3A_423 = arith.constant 8 : i32
      %div3A_424 = arith.divsi %add3A_422, %jit3A_423 : i32
      %sign3A_425 = arith.constant 0 : i32
      %sign3A_426 = arith.cmpi sgt, %add3A_422, %sign3A_425 : i32
      %sign3A_427 = arith.extui %sign3A_426 : i1 to i32
      %sign3A_428 = arith.constant 0 : i32
      %sign3A_429 = arith.cmpi slt, %add3A_422, %sign3A_428 : i32
      %sign3A_430 = arith.extui %sign3A_429 : i1 to i32
      %sign3A_431 = arith.subi %sign3A_427, %sign3A_430 : i32
      %sign3A_432 = arith.constant 0 : i32
      %sign3A_433 = arith.cmpi sgt, %jit3A_423, %sign3A_432 : i32
      %sign3A_434 = arith.extui %sign3A_433 : i1 to i32
      %sign3A_435 = arith.constant 0 : i32
      %sign3A_436 = arith.cmpi slt, %jit3A_423, %sign3A_435 : i32
      %sign3A_437 = arith.extui %sign3A_436 : i1 to i32
      %sign3A_438 = arith.subi %sign3A_434, %sign3A_437 : i32
      %ne3A_439 = arith.cmpi ne, %sign3A_431, %sign3A_438 : i32
      %rem3A_440 = arith.remsi %add3A_422, %jit3A_423 : i32
      %ne3A_441 = arith.constant 0 : i32
      %ne3A_442 = arith.cmpi ne, %rem3A_440, %ne3A_441 : i32
      %and3A_443 = arith.andi %ne3A_439, %ne3A_442 : i1
      %sub3A_444 = arith.constant 1 : i32
      %sub3A_445 = arith.subi %div3A_424, %sub3A_444 : i32
      %select_n3A_446 = arith.select %and3A_443, %sub3A_445, %div3A_424 : i32
      %add3A_447 = arith.constant 6 : i32
      %add3A_448 = arith.addi %mul3A_131, %add3A_447 : i32
      %jit3A_449 = arith.constant 8 : i32
      %eq3A_450 = arith.constant 0 : i32
      %eq3A_451 = arith.cmpi eq, %jit3A_449, %eq3A_450 : i32
      %jit3A_452 = arith.constant 1 : i32
      %select_n3A_453 = arith.select %eq3A_451, %jit3A_452, %jit3A_449 : i32
      %rem3A_454 = arith.remsi %add3A_448, %select_n3A_453 : i32
      %ne3A_455 = arith.constant 0 : i32
      %ne3A_456 = arith.cmpi ne, %rem3A_454, %ne3A_455 : i32
      %lt3A_457 = arith.constant 0 : i32
      %lt3A_458 = arith.cmpi slt, %rem3A_454, %lt3A_457 : i32
      %lt3A_459 = arith.constant 0 : i32
      %lt3A_460 = arith.cmpi slt, %select_n3A_453, %lt3A_459 : i32
      %ne3A_461 = arith.xori %lt3A_458, %lt3A_460 : i1
      %and3A_462 = arith.andi %ne3A_461, %ne3A_456 : i1
      %add3A_463 = arith.addi %rem3A_454, %select_n3A_453 : i32
      %select_n3A_464 = arith.select %and3A_462, %add3A_463, %rem3A_454 : i32
      %dma_start3A_465 = arith.constant 0 : i32
      %dma_start3A_466 = tpu.memref_slice %arg5[%select_n3A_446, %select_n3A_464, %dma_start3A_465] : memref<25x8x128xi32, #tpu.memory_space<vmem>> -> memref<1x1x128xi32, #tpu.memory_space<vmem>>
      %dma_start3A_467 = tpu.memref_squeeze %dma_start3A_466 : memref<1x1x128xi32, #tpu.memory_space<vmem>> -> memref<128xi32, #tpu.memory_space<vmem>>
      %dma_start3A_468 = arith.constant 0 : i32
      %dma_start3A_469 = arith.constant 0 : i32
      %dma_start3A_470 = tpu.memref_slice %arg3[%dma_start3A_468, %dma_start3A_469] : memref<5376x24xf32, #tpu.memory_space<hbm>> -> memref<5376x24xf32, #tpu.memory_space<hbm>>
      tpu.enqueue_indirect_dma source(%dma_start3A_470 : memref<5376x24xf32, #tpu.memory_space<hbm>>) target(%arg14 : memref<128x24xf32, #tpu.memory_space<vmem>>) offsets(%dma_start3A_467 : memref<128xi32, #tpu.memory_space<vmem>>) semaphore(%arg6 : memref<!tpu.dma_semaphore, #tpu.memory_space<semaphore_mem>>)
      %add3A_471 = arith.constant 7 : i32
      %add3A_472 = arith.addi %mul3A_131, %add3A_471 : i32
      %jit3A_473 = arith.constant 8 : i32
      %div3A_474 = arith.divsi %add3A_472, %jit3A_473 : i32
      %sign3A_475 = arith.constant 0 : i32
      %sign3A_476 = arith.cmpi sgt, %add3A_472, %sign3A_475 : i32
      %sign3A_477 = arith.extui %sign3A_476 : i1 to i32
      %sign3A_478 = arith.constant 0 : i32
      %sign3A_479 = arith.cmpi slt, %add3A_472, %sign3A_478 : i32
      %sign3A_480 = arith.extui %sign3A_479 : i1 to i32
      %sign3A_481 = arith.subi %sign3A_477, %sign3A_480 : i32
      %sign3A_482 = arith.constant 0 : i32
      %sign3A_483 = arith.cmpi sgt, %jit3A_473, %sign3A_482 : i32
      %sign3A_484 = arith.extui %sign3A_483 : i1 to i32
      %sign3A_485 = arith.constant 0 : i32
      %sign3A_486 = arith.cmpi slt, %jit3A_473, %sign3A_485 : i32
      %sign3A_487 = arith.extui %sign3A_486 : i1 to i32
      %sign3A_488 = arith.subi %sign3A_484, %sign3A_487 : i32
      %ne3A_489 = arith.cmpi ne, %sign3A_481, %sign3A_488 : i32
      %rem3A_490 = arith.remsi %add3A_472, %jit3A_473 : i32
      %ne3A_491 = arith.constant 0 : i32
      %ne3A_492 = arith.cmpi ne, %rem3A_490, %ne3A_491 : i32
      %and3A_493 = arith.andi %ne3A_489, %ne3A_492 : i1
      %sub3A_494 = arith.constant 1 : i32
      %sub3A_495 = arith.subi %div3A_474, %sub3A_494 : i32
      %select_n3A_496 = arith.select %and3A_493, %sub3A_495, %div3A_474 : i32
      %add3A_497 = arith.constant 7 : i32
      %add3A_498 = arith.addi %mul3A_131, %add3A_497 : i32
      %jit3A_499 = arith.constant 8 : i32
      %eq3A_500 = arith.constant 0 : i32
      %eq3A_501 = arith.cmpi eq, %jit3A_499, %eq3A_500 : i32
      %jit3A_502 = arith.constant 1 : i32
      %select_n3A_503 = arith.select %eq3A_501, %jit3A_502, %jit3A_499 : i32
      %rem3A_504 = arith.remsi %add3A_498, %select_n3A_503 : i32
      %ne3A_505 = arith.constant 0 : i32
      %ne3A_506 = arith.cmpi ne, %rem3A_504, %ne3A_505 : i32
      %lt3A_507 = arith.constant 0 : i32
      %lt3A_508 = arith.cmpi slt, %rem3A_504, %lt3A_507 : i32
      %lt3A_509 = arith.constant 0 : i32
      %lt3A_510 = arith.cmpi slt, %select_n3A_503, %lt3A_509 : i32
      %ne3A_511 = arith.xori %lt3A_508, %lt3A_510 : i1
      %and3A_512 = arith.andi %ne3A_511, %ne3A_506 : i1
      %add3A_513 = arith.addi %rem3A_504, %select_n3A_503 : i32
      %select_n3A_514 = arith.select %and3A_512, %add3A_513, %rem3A_504 : i32
      %dma_start3A_515 = arith.constant 0 : i32
      %dma_start3A_516 = tpu.memref_slice %arg5[%select_n3A_496, %select_n3A_514, %dma_start3A_515] : memref<25x8x128xi32, #tpu.memory_space<vmem>> -> memref<1x1x128xi32, #tpu.memory_space<vmem>>
      %dma_start3A_517 = tpu.memref_squeeze %dma_start3A_516 : memref<1x1x128xi32, #tpu.memory_space<vmem>> -> memref<128xi32, #tpu.memory_space<vmem>>
      %dma_start3A_518 = arith.constant 0 : i32
      %dma_start3A_519 = arith.constant 0 : i32
      %dma_start3A_520 = tpu.memref_slice %arg3[%dma_start3A_518, %dma_start3A_519] : memref<5376x24xf32, #tpu.memory_space<hbm>> -> memref<5376x24xf32, #tpu.memory_space<hbm>>
      tpu.enqueue_indirect_dma source(%dma_start3A_520 : memref<5376x24xf32, #tpu.memory_space<hbm>>) target(%arg15 : memref<128x24xf32, #tpu.memory_space<vmem>>) offsets(%dma_start3A_517 : memref<128xi32, #tpu.memory_space<vmem>>) semaphore(%arg6 : memref<!tpu.dma_semaphore, #tpu.memory_space<semaphore_mem>>)
      %add3A_521 = arith.constant 8 : i32
      %add3A_522 = arith.addi %mul3A_131, %add3A_521 : i32
      %jit3A_523 = arith.constant 8 : i32
      %div3A_524 = arith.divsi %add3A_522, %jit3A_523 : i32
      %sign3A_525 = arith.constant 0 : i32
      %sign3A_526 = arith.cmpi sgt, %add3A_522, %sign3A_525 : i32
      %sign3A_527 = arith.extui %sign3A_526 : i1 to i32
      %sign3A_528 = arith.constant 0 : i32
      %sign3A_529 = arith.cmpi slt, %add3A_522, %sign3A_528 : i32
      %sign3A_530 = arith.extui %sign3A_529 : i1 to i32
      %sign3A_531 = arith.subi %sign3A_527, %sign3A_530 : i32
      %sign3A_532 = arith.constant 0 : i32
      %sign3A_533 = arith.cmpi sgt, %jit3A_523, %sign3A_532 : i32
      %sign3A_534 = arith.extui %sign3A_533 : i1 to i32
      %sign3A_535 = arith.constant 0 : i32
      %sign3A_536 = arith.cmpi slt, %jit3A_523, %sign3A_535 : i32
      %sign3A_537 = arith.extui %sign3A_536 : i1 to i32
      %sign3A_538 = arith.subi %sign3A_534, %sign3A_537 : i32
      %ne3A_539 = arith.cmpi ne, %sign3A_531, %sign3A_538 : i32
      %rem3A_540 = arith.remsi %add3A_522, %jit3A_523 : i32
      %ne3A_541 = arith.constant 0 : i32
      %ne3A_542 = arith.cmpi ne, %rem3A_540, %ne3A_541 : i32
      %and3A_543 = arith.andi %ne3A_539, %ne3A_542 : i1
      %sub3A_544 = arith.constant 1 : i32
      %sub3A_545 = arith.subi %div3A_524, %sub3A_544 : i32
      %select_n3A_546 = arith.select %and3A_543, %sub3A_545, %div3A_524 : i32
      %add3A_547 = arith.constant 8 : i32
      %add3A_548 = arith.addi %mul3A_131, %add3A_547 : i32
      %jit3A_549 = arith.constant 8 : i32
      %eq3A_550 = arith.constant 0 : i32
      %eq3A_551 = arith.cmpi eq, %jit3A_549, %eq3A_550 : i32
      %jit3A_552 = arith.constant 1 : i32
      %select_n3A_553 = arith.select %eq3A_551, %jit3A_552, %jit3A_549 : i32
      %rem3A_554 = arith.remsi %add3A_548, %select_n3A_553 : i32
      %ne3A_555 = arith.constant 0 : i32
      %ne3A_556 = arith.cmpi ne, %rem3A_554, %ne3A_555 : i32
      %lt3A_557 = arith.constant 0 : i32
      %lt3A_558 = arith.cmpi slt, %rem3A_554, %lt3A_557 : i32
      %lt3A_559 = arith.constant 0 : i32
      %lt3A_560 = arith.cmpi slt, %select_n3A_553, %lt3A_559 : i32
      %ne3A_561 = arith.xori %lt3A_558, %lt3A_560 : i1
      %and3A_562 = arith.andi %ne3A_561, %ne3A_556 : i1
      %add3A_563 = arith.addi %rem3A_554, %select_n3A_553 : i32
      %select_n3A_564 = arith.select %and3A_562, %add3A_563, %rem3A_554 : i32
      %dma_start3A_565 = arith.constant 0 : i32
      %dma_start3A_566 = tpu.memref_slice %arg5[%select_n3A_546, %select_n3A_564, %dma_start3A_565] : memref<25x8x128xi32, #tpu.memory_space<vmem>> -> memref<1x1x128xi32, #tpu.memory_space<vmem>>
      %dma_start3A_567 = tpu.memref_squeeze %dma_start3A_566 : memref<1x1x128xi32, #tpu.memory_space<vmem>> -> memref<128xi32, #tpu.memory_space<vmem>>
      %dma_start3A_568 = arith.constant 0 : i32
      %dma_start3A_569 = arith.constant 0 : i32
      %dma_start3A_570 = tpu.memref_slice %arg3[%dma_start3A_568, %dma_start3A_569] : memref<5376x24xf32, #tpu.memory_space<hbm>> -> memref<5376x24xf32, #tpu.memory_space<hbm>>
      tpu.enqueue_indirect_dma source(%dma_start3A_570 : memref<5376x24xf32, #tpu.memory_space<hbm>>) target(%arg16 : memref<128x24xf32, #tpu.memory_space<vmem>>) offsets(%dma_start3A_567 : memref<128xi32, #tpu.memory_space<vmem>>) semaphore(%arg6 : memref<!tpu.dma_semaphore, #tpu.memory_space<semaphore_mem>>)
      %add3A_571 = arith.constant 9 : i32
      %add3A_572 = arith.addi %mul3A_131, %add3A_571 : i32
      %jit3A_573 = arith.constant 8 : i32
      %div3A_574 = arith.divsi %add3A_572, %jit3A_573 : i32
      %sign3A_575 = arith.constant 0 : i32
      %sign3A_576 = arith.cmpi sgt, %add3A_572, %sign3A_575 : i32
      %sign3A_577 = arith.extui %sign3A_576 : i1 to i32
      %sign3A_578 = arith.constant 0 : i32
      %sign3A_579 = arith.cmpi slt, %add3A_572, %sign3A_578 : i32
      %sign3A_580 = arith.extui %sign3A_579 : i1 to i32
      %sign3A_581 = arith.subi %sign3A_577, %sign3A_580 : i32
      %sign3A_582 = arith.constant 0 : i32
      %sign3A_583 = arith.cmpi sgt, %jit3A_573, %sign3A_582 : i32
      %sign3A_584 = arith.extui %sign3A_583 : i1 to i32
      %sign3A_585 = arith.constant 0 : i32
      %sign3A_586 = arith.cmpi slt, %jit3A_573, %sign3A_585 : i32
      %sign3A_587 = arith.extui %sign3A_586 : i1 to i32
      %sign3A_588 = arith.subi %sign3A_584, %sign3A_587 : i32
      %ne3A_589 = arith.cmpi ne, %sign3A_581, %sign3A_588 : i32
      %rem3A_590 = arith.remsi %add3A_572, %jit3A_573 : i32
      %ne3A_591 = arith.constant 0 : i32
      %ne3A_592 = arith.cmpi ne, %rem3A_590, %ne3A_591 : i32
      %and3A_593 = arith.andi %ne3A_589, %ne3A_592 : i1
      %sub3A_594 = arith.constant 1 : i32
      %sub3A_595 = arith.subi %div3A_574, %sub3A_594 : i32
      %select_n3A_596 = arith.select %and3A_593, %sub3A_595, %div3A_574 : i32
      %add3A_597 = arith.constant 9 : i32
      %add3A_598 = arith.addi %mul3A_131, %add3A_597 : i32
      %jit3A_599 = arith.constant 8 : i32
      %eq3A_600 = arith.constant 0 : i32
      %eq3A_601 = arith.cmpi eq, %jit3A_599, %eq3A_600 : i32
      %jit3A_602 = arith.constant 1 : i32
      %select_n3A_603 = arith.select %eq3A_601, %jit3A_602, %jit3A_599 : i32
      %rem3A_604 = arith.remsi %add3A_598, %select_n3A_603 : i32
      %ne3A_605 = arith.constant 0 : i32
      %ne3A_606 = arith.cmpi ne, %rem3A_604, %ne3A_605 : i32
      %lt3A_607 = arith.constant 0 : i32
      %lt3A_608 = arith.cmpi slt, %rem3A_604, %lt3A_607 : i32
      %lt3A_609 = arith.constant 0 : i32
      %lt3A_610 = arith.cmpi slt, %select_n3A_603, %lt3A_609 : i32
      %ne3A_611 = arith.xori %lt3A_608, %lt3A_610 : i1
      %and3A_612 = arith.andi %ne3A_611, %ne3A_606 : i1
      %add3A_613 = arith.addi %rem3A_604, %select_n3A_603 : i32
      %select_n3A_614 = arith.select %and3A_612, %add3A_613, %rem3A_604 : i32
      %dma_start3A_615 = arith.constant 0 : i32
      %dma_start3A_616 = tpu.memref_slice %arg5[%select_n3A_596, %select_n3A_614, %dma_start3A_615] : memref<25x8x128xi32, #tpu.memory_space<vmem>> -> memref<1x1x128xi32, #tpu.memory_space<vmem>>
      %dma_start3A_617 = tpu.memref_squeeze %dma_start3A_616 : memref<1x1x128xi32, #tpu.memory_space<vmem>> -> memref<128xi32, #tpu.memory_space<vmem>>
      %dma_start3A_618 = arith.constant 0 : i32
      %dma_start3A_619 = arith.constant 0 : i32
      %dma_start3A_620 = tpu.memref_slice %arg3[%dma_start3A_618, %dma_start3A_619] : memref<5376x24xf32, #tpu.memory_space<hbm>> -> memref<5376x24xf32, #tpu.memory_space<hbm>>
      tpu.enqueue_indirect_dma source(%dma_start3A_620 : memref<5376x24xf32, #tpu.memory_space<hbm>>) target(%arg17 : memref<128x24xf32, #tpu.memory_space<vmem>>) offsets(%dma_start3A_617 : memref<128xi32, #tpu.memory_space<vmem>>) semaphore(%arg6 : memref<!tpu.dma_semaphore, #tpu.memory_space<semaphore_mem>>)
      %add3A_621 = arith.constant 10 : i32
      %add3A_622 = arith.addi %mul3A_131, %add3A_621 : i32
      %jit3A_623 = arith.constant 8 : i32
      %div3A_624 = arith.divsi %add3A_622, %jit3A_623 : i32
      %sign3A_625 = arith.constant 0 : i32
      %sign3A_626 = arith.cmpi sgt, %add3A_622, %sign3A_625 : i32
      %sign3A_627 = arith.extui %sign3A_626 : i1 to i32
      %sign3A_628 = arith.constant 0 : i32
      %sign3A_629 = arith.cmpi slt, %add3A_622, %sign3A_628 : i32
      %sign3A_630 = arith.extui %sign3A_629 : i1 to i32
      %sign3A_631 = arith.subi %sign3A_627, %sign3A_630 : i32
      %sign3A_632 = arith.constant 0 : i32
      %sign3A_633 = arith.cmpi sgt, %jit3A_623, %sign3A_632 : i32
      %sign3A_634 = arith.extui %sign3A_633 : i1 to i32
      %sign3A_635 = arith.constant 0 : i32
      %sign3A_636 = arith.cmpi slt, %jit3A_623, %sign3A_635 : i32
      %sign3A_637 = arith.extui %sign3A_636 : i1 to i32
      %sign3A_638 = arith.subi %sign3A_634, %sign3A_637 : i32
      %ne3A_639 = arith.cmpi ne, %sign3A_631, %sign3A_638 : i32
      %rem3A_640 = arith.remsi %add3A_622, %jit3A_623 : i32
      %ne3A_641 = arith.constant 0 : i32
      %ne3A_642 = arith.cmpi ne, %rem3A_640, %ne3A_641 : i32
      %and3A_643 = arith.andi %ne3A_639, %ne3A_642 : i1
      %sub3A_644 = arith.constant 1 : i32
      %sub3A_645 = arith.subi %div3A_624, %sub3A_644 : i32
      %select_n3A_646 = arith.select %and3A_643, %sub3A_645, %div3A_624 : i32
      %add3A_647 = arith.constant 10 : i32
      %add3A_648 = arith.addi %mul3A_131, %add3A_647 : i32
      %jit3A_649 = arith.constant 8 : i32
      %eq3A_650 = arith.constant 0 : i32
      %eq3A_651 = arith.cmpi eq, %jit3A_649, %eq3A_650 : i32
      %jit3A_652 = arith.constant 1 : i32
      %select_n3A_653 = arith.select %eq3A_651, %jit3A_652, %jit3A_649 : i32
      %rem3A_654 = arith.remsi %add3A_648, %select_n3A_653 : i32
      %ne3A_655 = arith.constant 0 : i32
      %ne3A_656 = arith.cmpi ne, %rem3A_654, %ne3A_655 : i32
      %lt3A_657 = arith.constant 0 : i32
      %lt3A_658 = arith.cmpi slt, %rem3A_654, %lt3A_657 : i32
      %lt3A_659 = arith.constant 0 : i32
      %lt3A_660 = arith.cmpi slt, %select_n3A_653, %lt3A_659 : i32
      %ne3A_661 = arith.xori %lt3A_658, %lt3A_660 : i1
      %and3A_662 = arith.andi %ne3A_661, %ne3A_656 : i1
      %add3A_663 = arith.addi %rem3A_654, %select_n3A_653 : i32
      %select_n3A_664 = arith.select %and3A_662, %add3A_663, %rem3A_654 : i32
      %dma_start3A_665 = arith.constant 0 : i32
      %dma_start3A_666 = tpu.memref_slice %arg5[%select_n3A_646, %select_n3A_664, %dma_start3A_665] : memref<25x8x128xi32, #tpu.memory_space<vmem>> -> memref<1x1x128xi32, #tpu.memory_space<vmem>>
      %dma_start3A_667 = tpu.memref_squeeze %dma_start3A_666 : memref<1x1x128xi32, #tpu.memory_space<vmem>> -> memref<128xi32, #tpu.memory_space<vmem>>
      %dma_start3A_668 = arith.constant 0 : i32
      %dma_start3A_669 = arith.constant 0 : i32
      %dma_start3A_670 = tpu.memref_slice %arg3[%dma_start3A_668, %dma_start3A_669] : memref<5376x24xf32, #tpu.memory_space<hbm>> -> memref<5376x24xf32, #tpu.memory_space<hbm>>
      tpu.enqueue_indirect_dma source(%dma_start3A_670 : memref<5376x24xf32, #tpu.memory_space<hbm>>) target(%arg18 : memref<128x24xf32, #tpu.memory_space<vmem>>) offsets(%dma_start3A_667 : memref<128xi32, #tpu.memory_space<vmem>>) semaphore(%arg6 : memref<!tpu.dma_semaphore, #tpu.memory_space<semaphore_mem>>)
      %add3A_671 = arith.constant 11 : i32
      %add3A_672 = arith.addi %mul3A_131, %add3A_671 : i32
      %jit3A_673 = arith.constant 8 : i32
      %div3A_674 = arith.divsi %add3A_672, %jit3A_673 : i32
      %sign3A_675 = arith.constant 0 : i32
      %sign3A_676 = arith.cmpi sgt, %add3A_672, %sign3A_675 : i32
      %sign3A_677 = arith.extui %sign3A_676 : i1 to i32
      %sign3A_678 = arith.constant 0 : i32
      %sign3A_679 = arith.cmpi slt, %add3A_672, %sign3A_678 : i32
      %sign3A_680 = arith.extui %sign3A_679 : i1 to i32
      %sign3A_681 = arith.subi %sign3A_677, %sign3A_680 : i32
      %sign3A_682 = arith.constant 0 : i32
      %sign3A_683 = arith.cmpi sgt, %jit3A_673, %sign3A_682 : i32
      %sign3A_684 = arith.extui %sign3A_683 : i1 to i32
      %sign3A_685 = arith.constant 0 : i32
      %sign3A_686 = arith.cmpi slt, %jit3A_673, %sign3A_685 : i32
      %sign3A_687 = arith.extui %sign3A_686 : i1 to i32
      %sign3A_688 = arith.subi %sign3A_684, %sign3A_687 : i32
      %ne3A_689 = arith.cmpi ne, %sign3A_681, %sign3A_688 : i32
      %rem3A_690 = arith.remsi %add3A_672, %jit3A_673 : i32
      %ne3A_691 = arith.constant 0 : i32
      %ne3A_692 = arith.cmpi ne, %rem3A_690, %ne3A_691 : i32
      %and3A_693 = arith.andi %ne3A_689, %ne3A_692 : i1
      %sub3A_694 = arith.constant 1 : i32
      %sub3A_695 = arith.subi %div3A_674, %sub3A_694 : i32
      %select_n3A_696 = arith.select %and3A_693, %sub3A_695, %div3A_674 : i32
      %add3A_697 = arith.constant 11 : i32
      %add3A_698 = arith.addi %mul3A_131, %add3A_697 : i32
      %jit3A_699 = arith.constant 8 : i32
      %eq3A_700 = arith.constant 0 : i32
      %eq3A_701 = arith.cmpi eq, %jit3A_699, %eq3A_700 : i32
      %jit3A_702 = arith.constant 1 : i32
      %select_n3A_703 = arith.select %eq3A_701, %jit3A_702, %jit3A_699 : i32
      %rem3A_704 = arith.remsi %add3A_698, %select_n3A_703 : i32
      %ne3A_705 = arith.constant 0 : i32
      %ne3A_706 = arith.cmpi ne, %rem3A_704, %ne3A_705 : i32
      %lt3A_707 = arith.constant 0 : i32
      %lt3A_708 = arith.cmpi slt, %rem3A_704, %lt3A_707 : i32
      %lt3A_709 = arith.constant 0 : i32
      %lt3A_710 = arith.cmpi slt, %select_n3A_703, %lt3A_709 : i32
      %ne3A_711 = arith.xori %lt3A_708, %lt3A_710 : i1
      %and3A_712 = arith.andi %ne3A_711, %ne3A_706 : i1
      %add3A_713 = arith.addi %rem3A_704, %select_n3A_703 : i32
      %select_n3A_714 = arith.select %and3A_712, %add3A_713, %rem3A_704 : i32
      %dma_start3A_715 = arith.constant 0 : i32
      %dma_start3A_716 = tpu.memref_slice %arg5[%select_n3A_696, %select_n3A_714, %dma_start3A_715] : memref<25x8x128xi32, #tpu.memory_space<vmem>> -> memref<1x1x128xi32, #tpu.memory_space<vmem>>
      %dma_start3A_717 = tpu.memref_squeeze %dma_start3A_716 : memref<1x1x128xi32, #tpu.memory_space<vmem>> -> memref<128xi32, #tpu.memory_space<vmem>>
      %dma_start3A_718 = arith.constant 0 : i32
      %dma_start3A_719 = arith.constant 0 : i32
      %dma_start3A_720 = tpu.memref_slice %arg3[%dma_start3A_718, %dma_start3A_719] : memref<5376x24xf32, #tpu.memory_space<hbm>> -> memref<5376x24xf32, #tpu.memory_space<hbm>>
      tpu.enqueue_indirect_dma source(%dma_start3A_720 : memref<5376x24xf32, #tpu.memory_space<hbm>>) target(%arg19 : memref<128x24xf32, #tpu.memory_space<vmem>>) offsets(%dma_start3A_717 : memref<128xi32, #tpu.memory_space<vmem>>) semaphore(%arg6 : memref<!tpu.dma_semaphore, #tpu.memory_space<semaphore_mem>>)
      %add3A_721 = arith.constant 12 : i32
      %add3A_722 = arith.addi %mul3A_131, %add3A_721 : i32
      %jit3A_723 = arith.constant 8 : i32
      %div3A_724 = arith.divsi %add3A_722, %jit3A_723 : i32
      %sign3A_725 = arith.constant 0 : i32
      %sign3A_726 = arith.cmpi sgt, %add3A_722, %sign3A_725 : i32
      %sign3A_727 = arith.extui %sign3A_726 : i1 to i32
      %sign3A_728 = arith.constant 0 : i32
      %sign3A_729 = arith.cmpi slt, %add3A_722, %sign3A_728 : i32
      %sign3A_730 = arith.extui %sign3A_729 : i1 to i32
      %sign3A_731 = arith.subi %sign3A_727, %sign3A_730 : i32
      %sign3A_732 = arith.constant 0 : i32
      %sign3A_733 = arith.cmpi sgt, %jit3A_723, %sign3A_732 : i32
      %sign3A_734 = arith.extui %sign3A_733 : i1 to i32
      %sign3A_735 = arith.constant 0 : i32
      %sign3A_736 = arith.cmpi slt, %jit3A_723, %sign3A_735 : i32
      %sign3A_737 = arith.extui %sign3A_736 : i1 to i32
      %sign3A_738 = arith.subi %sign3A_734, %sign3A_737 : i32
      %ne3A_739 = arith.cmpi ne, %sign3A_731, %sign3A_738 : i32
      %rem3A_740 = arith.remsi %add3A_722, %jit3A_723 : i32
      %ne3A_741 = arith.constant 0 : i32
      %ne3A_742 = arith.cmpi ne, %rem3A_740, %ne3A_741 : i32
      %and3A_743 = arith.andi %ne3A_739, %ne3A_742 : i1
      %sub3A_744 = arith.constant 1 : i32
      %sub3A_745 = arith.subi %div3A_724, %sub3A_744 : i32
      %select_n3A_746 = arith.select %and3A_743, %sub3A_745, %div3A_724 : i32
      %add3A_747 = arith.constant 12 : i32
      %add3A_748 = arith.addi %mul3A_131, %add3A_747 : i32
      %jit3A_749 = arith.constant 8 : i32
      %eq3A_750 = arith.constant 0 : i32
      %eq3A_751 = arith.cmpi eq, %jit3A_749, %eq3A_750 : i32
      %jit3A_752 = arith.constant 1 : i32
      %select_n3A_753 = arith.select %eq3A_751, %jit3A_752, %jit3A_749 : i32
      %rem3A_754 = arith.remsi %add3A_748, %select_n3A_753 : i32
      %ne3A_755 = arith.constant 0 : i32
      %ne3A_756 = arith.cmpi ne, %rem3A_754, %ne3A_755 : i32
      %lt3A_757 = arith.constant 0 : i32
      %lt3A_758 = arith.cmpi slt, %rem3A_754, %lt3A_757 : i32
      %lt3A_759 = arith.constant 0 : i32
      %lt3A_760 = arith.cmpi slt, %select_n3A_753, %lt3A_759 : i32
      %ne3A_761 = arith.xori %lt3A_758, %lt3A_760 : i1
      %and3A_762 = arith.andi %ne3A_761, %ne3A_756 : i1
      %add3A_763 = arith.addi %rem3A_754, %select_n3A_753 : i32
      %select_n3A_764 = arith.select %and3A_762, %add3A_763, %rem3A_754 : i32
      %dma_start3A_765 = arith.constant 0 : i32
      %dma_start3A_766 = tpu.memref_slice %arg5[%select_n3A_746, %select_n3A_764, %dma_start3A_765] : memref<25x8x128xi32, #tpu.memory_space<vmem>> -> memref<1x1x128xi32, #tpu.memory_space<vmem>>
      %dma_start3A_767 = tpu.memref_squeeze %dma_start3A_766 : memref<1x1x128xi32, #tpu.memory_space<vmem>> -> memref<128xi32, #tpu.memory_space<vmem>>
      %dma_start3A_768 = arith.constant 0 : i32
      %dma_start3A_769 = arith.constant 0 : i32
      %dma_start3A_770 = tpu.memref_slice %arg3[%dma_start3A_768, %dma_start3A_769] : memref<5376x24xf32, #tpu.memory_space<hbm>> -> memref<5376x24xf32, #tpu.memory_space<hbm>>
      tpu.enqueue_indirect_dma source(%dma_start3A_770 : memref<5376x24xf32, #tpu.memory_space<hbm>>) target(%arg20 : memref<128x24xf32, #tpu.memory_space<vmem>>) offsets(%dma_start3A_767 : memref<128xi32, #tpu.memory_space<vmem>>) semaphore(%arg6 : memref<!tpu.dma_semaphore, #tpu.memory_space<semaphore_mem>>)
      %add3A_771 = arith.constant 13 : i32
      %add3A_772 = arith.addi %mul3A_131, %add3A_771 : i32
      %jit3A_773 = arith.constant 8 : i32
      %div3A_774 = arith.divsi %add3A_772, %jit3A_773 : i32
      %sign3A_775 = arith.constant 0 : i32
      %sign3A_776 = arith.cmpi sgt, %add3A_772, %sign3A_775 : i32
      %sign3A_777 = arith.extui %sign3A_776 : i1 to i32
      %sign3A_778 = arith.constant 0 : i32
      %sign3A_779 = arith.cmpi slt, %add3A_772, %sign3A_778 : i32
      %sign3A_780 = arith.extui %sign3A_779 : i1 to i32
      %sign3A_781 = arith.subi %sign3A_777, %sign3A_780 : i32
      %sign3A_782 = arith.constant 0 : i32
      %sign3A_783 = arith.cmpi sgt, %jit3A_773, %sign3A_782 : i32
      %sign3A_784 = arith.extui %sign3A_783 : i1 to i32
      %sign3A_785 = arith.constant 0 : i32
      %sign3A_786 = arith.cmpi slt, %jit3A_773, %sign3A_785 : i32
      %sign3A_787 = arith.extui %sign3A_786 : i1 to i32
      %sign3A_788 = arith.subi %sign3A_784, %sign3A_787 : i32
      %ne3A_789 = arith.cmpi ne, %sign3A_781, %sign3A_788 : i32
      %rem3A_790 = arith.remsi %add3A_772, %jit3A_773 : i32
      %ne3A_791 = arith.constant 0 : i32
      %ne3A_792 = arith.cmpi ne, %rem3A_790, %ne3A_791 : i32
      %and3A_793 = arith.andi %ne3A_789, %ne3A_792 : i1
      %sub3A_794 = arith.constant 1 : i32
      %sub3A_795 = arith.subi %div3A_774, %sub3A_794 : i32
      %select_n3A_796 = arith.select %and3A_793, %sub3A_795, %div3A_774 : i32
      %add3A_797 = arith.constant 13 : i32
      %add3A_798 = arith.addi %mul3A_131, %add3A_797 : i32
      %jit3A_799 = arith.constant 8 : i32
      %eq3A_800 = arith.constant 0 : i32
      %eq3A_801 = arith.cmpi eq, %jit3A_799, %eq3A_800 : i32
      %jit3A_802 = arith.constant 1 : i32
      %select_n3A_803 = arith.select %eq3A_801, %jit3A_802, %jit3A_799 : i32
      %rem3A_804 = arith.remsi %add3A_798, %select_n3A_803 : i32
      %ne3A_805 = arith.constant 0 : i32
      %ne3A_806 = arith.cmpi ne, %rem3A_804, %ne3A_805 : i32
      %lt3A_807 = arith.constant 0 : i32
      %lt3A_808 = arith.cmpi slt, %rem3A_804, %lt3A_807 : i32
      %lt3A_809 = arith.constant 0 : i32
      %lt3A_810 = arith.cmpi slt, %select_n3A_803, %lt3A_809 : i32
      %ne3A_811 = arith.xori %lt3A_808, %lt3A_810 : i1
      %and3A_812 = arith.andi %ne3A_811, %ne3A_806 : i1
      %add3A_813 = arith.addi %rem3A_804, %select_n3A_803 : i32
      %select_n3A_814 = arith.select %and3A_812, %add3A_813, %rem3A_804 : i32
      %dma_start3A_815 = arith.constant 0 : i32
      %dma_start3A_816 = tpu.memref_slice %arg5[%select_n3A_796, %select_n3A_814, %dma_start3A_815] : memref<25x8x128xi32, #tpu.memory_space<vmem>> -> memref<1x1x128xi32, #tpu.memory_space<vmem>>
      %dma_start3A_817 = tpu.memref_squeeze %dma_start3A_816 : memref<1x1x128xi32, #tpu.memory_space<vmem>> -> memref<128xi32, #tpu.memory_space<vmem>>
      %dma_start3A_818 = arith.constant 0 : i32
      %dma_start3A_819 = arith.constant 0 : i32
      %dma_start3A_820 = tpu.memref_slice %arg3[%dma_start3A_818, %dma_start3A_819] : memref<5376x24xf32, #tpu.memory_space<hbm>> -> memref<5376x24xf32, #tpu.memory_space<hbm>>
      tpu.enqueue_indirect_dma source(%dma_start3A_820 : memref<5376x24xf32, #tpu.memory_space<hbm>>) target(%arg21 : memref<128x24xf32, #tpu.memory_space<vmem>>) offsets(%dma_start3A_817 : memref<128xi32, #tpu.memory_space<vmem>>) semaphore(%arg6 : memref<!tpu.dma_semaphore, #tpu.memory_space<semaphore_mem>>)
      %add3A_821 = arith.constant 14 : i32
      %add3A_822 = arith.addi %mul3A_131, %add3A_821 : i32
      %jit3A_823 = arith.constant 8 : i32
      %div3A_824 = arith.divsi %add3A_822, %jit3A_823 : i32
      %sign3A_825 = arith.constant 0 : i32
      %sign3A_826 = arith.cmpi sgt, %add3A_822, %sign3A_825 : i32
      %sign3A_827 = arith.extui %sign3A_826 : i1 to i32
      %sign3A_828 = arith.constant 0 : i32
      %sign3A_829 = arith.cmpi slt, %add3A_822, %sign3A_828 : i32
      %sign3A_830 = arith.extui %sign3A_829 : i1 to i32
      %sign3A_831 = arith.subi %sign3A_827, %sign3A_830 : i32
      %sign3A_832 = arith.constant 0 : i32
      %sign3A_833 = arith.cmpi sgt, %jit3A_823, %sign3A_832 : i32
      %sign3A_834 = arith.extui %sign3A_833 : i1 to i32
      %sign3A_835 = arith.constant 0 : i32
      %sign3A_836 = arith.cmpi slt, %jit3A_823, %sign3A_835 : i32
      %sign3A_837 = arith.extui %sign3A_836 : i1 to i32
      %sign3A_838 = arith.subi %sign3A_834, %sign3A_837 : i32
      %ne3A_839 = arith.cmpi ne, %sign3A_831, %sign3A_838 : i32
      %rem3A_840 = arith.remsi %add3A_822, %jit3A_823 : i32
      %ne3A_841 = arith.constant 0 : i32
      %ne3A_842 = arith.cmpi ne, %rem3A_840, %ne3A_841 : i32
      %and3A_843 = arith.andi %ne3A_839, %ne3A_842 : i1
      %sub3A_844 = arith.constant 1 : i32
      %sub3A_845 = arith.subi %div3A_824, %sub3A_844 : i32
      %select_n3A_846 = arith.select %and3A_843, %sub3A_845, %div3A_824 : i32
      %add3A_847 = arith.constant 14 : i32
      %add3A_848 = arith.addi %mul3A_131, %add3A_847 : i32
      %jit3A_849 = arith.constant 8 : i32
      %eq3A_850 = arith.constant 0 : i32
      %eq3A_851 = arith.cmpi eq, %jit3A_849, %eq3A_850 : i32
      %jit3A_852 = arith.constant 1 : i32
      %select_n3A_853 = arith.select %eq3A_851, %jit3A_852, %jit3A_849 : i32
      %rem3A_854 = arith.remsi %add3A_848, %select_n3A_853 : i32
      %ne3A_855 = arith.constant 0 : i32
      %ne3A_856 = arith.cmpi ne, %rem3A_854, %ne3A_855 : i32
      %lt3A_857 = arith.constant 0 : i32
      %lt3A_858 = arith.cmpi slt, %rem3A_854, %lt3A_857 : i32
      %lt3A_859 = arith.constant 0 : i32
      %lt3A_860 = arith.cmpi slt, %select_n3A_853, %lt3A_859 : i32
      %ne3A_861 = arith.xori %lt3A_858, %lt3A_860 : i1
      %and3A_862 = arith.andi %ne3A_861, %ne3A_856 : i1
      %add3A_863 = arith.addi %rem3A_854, %select_n3A_853 : i32
      %select_n3A_864 = arith.select %and3A_862, %add3A_863, %rem3A_854 : i32
      %dma_start3A_865 = arith.constant 0 : i32
      %dma_start3A_866 = tpu.memref_slice %arg5[%select_n3A_846, %select_n3A_864, %dma_start3A_865] : memref<25x8x128xi32, #tpu.memory_space<vmem>> -> memref<1x1x128xi32, #tpu.memory_space<vmem>>
      %dma_start3A_867 = tpu.memref_squeeze %dma_start3A_866 : memref<1x1x128xi32, #tpu.memory_space<vmem>> -> memref<128xi32, #tpu.memory_space<vmem>>
      %dma_start3A_868 = arith.constant 0 : i32
      %dma_start3A_869 = arith.constant 0 : i32
      %dma_start3A_870 = tpu.memref_slice %arg3[%dma_start3A_868, %dma_start3A_869] : memref<5376x24xf32, #tpu.memory_space<hbm>> -> memref<5376x24xf32, #tpu.memory_space<hbm>>
      tpu.enqueue_indirect_dma source(%dma_start3A_870 : memref<5376x24xf32, #tpu.memory_space<hbm>>) target(%arg22 : memref<128x24xf32, #tpu.memory_space<vmem>>) offsets(%dma_start3A_867 : memref<128xi32, #tpu.memory_space<vmem>>) semaphore(%arg6 : memref<!tpu.dma_semaphore, #tpu.memory_space<semaphore_mem>>)
      %add3A_871 = arith.constant 15 : i32
      %add3A_872 = arith.addi %mul3A_131, %add3A_871 : i32
      %jit3A_873 = arith.constant 8 : i32
      %div3A_874 = arith.divsi %add3A_872, %jit3A_873 : i32
      %sign3A_875 = arith.constant 0 : i32
      %sign3A_876 = arith.cmpi sgt, %add3A_872, %sign3A_875 : i32
      %sign3A_877 = arith.extui %sign3A_876 : i1 to i32
      %sign3A_878 = arith.constant 0 : i32
      %sign3A_879 = arith.cmpi slt, %add3A_872, %sign3A_878 : i32
      %sign3A_880 = arith.extui %sign3A_879 : i1 to i32
      %sign3A_881 = arith.subi %sign3A_877, %sign3A_880 : i32
      %sign3A_882 = arith.constant 0 : i32
      %sign3A_883 = arith.cmpi sgt, %jit3A_873, %sign3A_882 : i32
      %sign3A_884 = arith.extui %sign3A_883 : i1 to i32
      %sign3A_885 = arith.constant 0 : i32
      %sign3A_886 = arith.cmpi slt, %jit3A_873, %sign3A_885 : i32
      %sign3A_887 = arith.extui %sign3A_886 : i1 to i32
      %sign3A_888 = arith.subi %sign3A_884, %sign3A_887 : i32
      %ne3A_889 = arith.cmpi ne, %sign3A_881, %sign3A_888 : i32
      %rem3A_890 = arith.remsi %add3A_872, %jit3A_873 : i32
      %ne3A_891 = arith.constant 0 : i32
      %ne3A_892 = arith.cmpi ne, %rem3A_890, %ne3A_891 : i32
      %and3A_893 = arith.andi %ne3A_889, %ne3A_892 : i1
      %sub3A_894 = arith.constant 1 : i32
      %sub3A_895 = arith.subi %div3A_874, %sub3A_894 : i32
      %select_n3A_896 = arith.select %and3A_893, %sub3A_895, %div3A_874 : i32
      %add3A_897 = arith.constant 15 : i32
      %add3A_898 = arith.addi %mul3A_131, %add3A_897 : i32
      %jit3A_899 = arith.constant 8 : i32
      %eq3A_900 = arith.constant 0 : i32
      %eq3A_901 = arith.cmpi eq, %jit3A_899, %eq3A_900 : i32
      %jit3A_902 = arith.constant 1 : i32
      %select_n3A_903 = arith.select %eq3A_901, %jit3A_902, %jit3A_899 : i32
      %rem3A_904 = arith.remsi %add3A_898, %select_n3A_903 : i32
      %ne3A_905 = arith.constant 0 : i32
      %ne3A_906 = arith.cmpi ne, %rem3A_904, %ne3A_905 : i32
      %lt3A_907 = arith.constant 0 : i32
      %lt3A_908 = arith.cmpi slt, %rem3A_904, %lt3A_907 : i32
      %lt3A_909 = arith.constant 0 : i32
      %lt3A_910 = arith.cmpi slt, %select_n3A_903, %lt3A_909 : i32
      %ne3A_911 = arith.xori %lt3A_908, %lt3A_910 : i1
      %and3A_912 = arith.andi %ne3A_911, %ne3A_906 : i1
      %add3A_913 = arith.addi %rem3A_904, %select_n3A_903 : i32
      %select_n3A_914 = arith.select %and3A_912, %add3A_913, %rem3A_904 : i32
      %dma_start3A_915 = arith.constant 0 : i32
      %dma_start3A_916 = tpu.memref_slice %arg5[%select_n3A_896, %select_n3A_914, %dma_start3A_915] : memref<25x8x128xi32, #tpu.memory_space<vmem>> -> memref<1x1x128xi32, #tpu.memory_space<vmem>>
      %dma_start3A_917 = tpu.memref_squeeze %dma_start3A_916 : memref<1x1x128xi32, #tpu.memory_space<vmem>> -> memref<128xi32, #tpu.memory_space<vmem>>
      %dma_start3A_918 = arith.constant 0 : i32
      %dma_start3A_919 = arith.constant 0 : i32
      %dma_start3A_920 = tpu.memref_slice %arg3[%dma_start3A_918, %dma_start3A_919] : memref<5376x24xf32, #tpu.memory_space<hbm>> -> memref<5376x24xf32, #tpu.memory_space<hbm>>
      tpu.enqueue_indirect_dma source(%dma_start3A_920 : memref<5376x24xf32, #tpu.memory_space<hbm>>) target(%arg23 : memref<128x24xf32, #tpu.memory_space<vmem>>) offsets(%dma_start3A_917 : memref<128xi32, #tpu.memory_space<vmem>>) semaphore(%arg6 : memref<!tpu.dma_semaphore, #tpu.memory_space<semaphore_mem>>)
      %add3A_921 = arith.constant 16 : i32
      %add3A_922 = arith.addi %mul3A_131, %add3A_921 : i32
      %jit3A_923 = arith.constant 8 : i32
      %div3A_924 = arith.divsi %add3A_922, %jit3A_923 : i32
      %sign3A_925 = arith.constant 0 : i32
      %sign3A_926 = arith.cmpi sgt, %add3A_922, %sign3A_925 : i32
      %sign3A_927 = arith.extui %sign3A_926 : i1 to i32
      %sign3A_928 = arith.constant 0 : i32
      %sign3A_929 = arith.cmpi slt, %add3A_922, %sign3A_928 : i32
      %sign3A_930 = arith.extui %sign3A_929 : i1 to i32
      %sign3A_931 = arith.subi %sign3A_927, %sign3A_930 : i32
      %sign3A_932 = arith.constant 0 : i32
      %sign3A_933 = arith.cmpi sgt, %jit3A_923, %sign3A_932 : i32
      %sign3A_934 = arith.extui %sign3A_933 : i1 to i32
      %sign3A_935 = arith.constant 0 : i32
      %sign3A_936 = arith.cmpi slt, %jit3A_923, %sign3A_935 : i32
      %sign3A_937 = arith.extui %sign3A_936 : i1 to i32
      %sign3A_938 = arith.subi %sign3A_934, %sign3A_937 : i32
      %ne3A_939 = arith.cmpi ne, %sign3A_931, %sign3A_938 : i32
      %rem3A_940 = arith.remsi %add3A_922, %jit3A_923 : i32
      %ne3A_941 = arith.constant 0 : i32
      %ne3A_942 = arith.cmpi ne, %rem3A_940, %ne3A_941 : i32
      %and3A_943 = arith.andi %ne3A_939, %ne3A_942 : i1
      %sub3A_944 = arith.constant 1 : i32
      %sub3A_945 = arith.subi %div3A_924, %sub3A_944 : i32
      %select_n3A_946 = arith.select %and3A_943, %sub3A_945, %div3A_924 : i32
      %add3A_947 = arith.constant 16 : i32
      %add3A_948 = arith.addi %mul3A_131, %add3A_947 : i32
      %jit3A_949 = arith.constant 8 : i32
      %eq3A_950 = arith.constant 0 : i32
      %eq3A_951 = arith.cmpi eq, %jit3A_949, %eq3A_950 : i32
      %jit3A_952 = arith.constant 1 : i32
      %select_n3A_953 = arith.select %eq3A_951, %jit3A_952, %jit3A_949 : i32
      %rem3A_954 = arith.remsi %add3A_948, %select_n3A_953 : i32
      %ne3A_955 = arith.constant 0 : i32
      %ne3A_956 = arith.cmpi ne, %rem3A_954, %ne3A_955 : i32
      %lt3A_957 = arith.constant 0 : i32
      %lt3A_958 = arith.cmpi slt, %rem3A_954, %lt3A_957 : i32
      %lt3A_959 = arith.constant 0 : i32
      %lt3A_960 = arith.cmpi slt, %select_n3A_953, %lt3A_959 : i32
      %ne3A_961 = arith.xori %lt3A_958, %lt3A_960 : i1
      %and3A_962 = arith.andi %ne3A_961, %ne3A_956 : i1
      %add3A_963 = arith.addi %rem3A_954, %select_n3A_953 : i32
      %select_n3A_964 = arith.select %and3A_962, %add3A_963, %rem3A_954 : i32
      %dma_start3A_965 = arith.constant 0 : i32
      %dma_start3A_966 = tpu.memref_slice %arg5[%select_n3A_946, %select_n3A_964, %dma_start3A_965] : memref<25x8x128xi32, #tpu.memory_space<vmem>> -> memref<1x1x128xi32, #tpu.memory_space<vmem>>
      %dma_start3A_967 = tpu.memref_squeeze %dma_start3A_966 : memref<1x1x128xi32, #tpu.memory_space<vmem>> -> memref<128xi32, #tpu.memory_space<vmem>>
      %dma_start3A_968 = arith.constant 0 : i32
      %dma_start3A_969 = arith.constant 0 : i32
      %dma_start3A_970 = tpu.memref_slice %arg3[%dma_start3A_968, %dma_start3A_969] : memref<5376x24xf32, #tpu.memory_space<hbm>> -> memref<5376x24xf32, #tpu.memory_space<hbm>>
      tpu.enqueue_indirect_dma source(%dma_start3A_970 : memref<5376x24xf32, #tpu.memory_space<hbm>>) target(%arg24 : memref<128x24xf32, #tpu.memory_space<vmem>>) offsets(%dma_start3A_967 : memref<128xi32, #tpu.memory_space<vmem>>) semaphore(%arg6 : memref<!tpu.dma_semaphore, #tpu.memory_space<semaphore_mem>>)
      %add3A_971 = arith.constant 17 : i32
      %add3A_972 = arith.addi %mul3A_131, %add3A_971 : i32
      %jit3A_973 = arith.constant 8 : i32
      %div3A_974 = arith.divsi %add3A_972, %jit3A_973 : i32
      %sign3A_975 = arith.constant 0 : i32
      %sign3A_976 = arith.cmpi sgt, %add3A_972, %sign3A_975 : i32
      %sign3A_977 = arith.extui %sign3A_976 : i1 to i32
      %sign3A_978 = arith.constant 0 : i32
      %sign3A_979 = arith.cmpi slt, %add3A_972, %sign3A_978 : i32
      %sign3A_980 = arith.extui %sign3A_979 : i1 to i32
      %sign3A_981 = arith.subi %sign3A_977, %sign3A_980 : i32
      %sign3A_982 = arith.constant 0 : i32
      %sign3A_983 = arith.cmpi sgt, %jit3A_973, %sign3A_982 : i32
      %sign3A_984 = arith.extui %sign3A_983 : i1 to i32
      %sign3A_985 = arith.constant 0 : i32
      %sign3A_986 = arith.cmpi slt, %jit3A_973, %sign3A_985 : i32
      %sign3A_987 = arith.extui %sign3A_986 : i1 to i32
      %sign3A_988 = arith.subi %sign3A_984, %sign3A_987 : i32
      %ne3A_989 = arith.cmpi ne, %sign3A_981, %sign3A_988 : i32
      %rem3A_990 = arith.remsi %add3A_972, %jit3A_973 : i32
      %ne3A_991 = arith.constant 0 : i32
      %ne3A_992 = arith.cmpi ne, %rem3A_990, %ne3A_991 : i32
      %and3A_993 = arith.andi %ne3A_989, %ne3A_992 : i1
      %sub3A_994 = arith.constant 1 : i32
      %sub3A_995 = arith.subi %div3A_974, %sub3A_994 : i32
      %select_n3A_996 = arith.select %and3A_993, %sub3A_995, %div3A_974 : i32
      %add3A_997 = arith.constant 17 : i32
      %add3A_998 = arith.addi %mul3A_131, %add3A_997 : i32
      %jit3A_999 = arith.constant 8 : i32
      %eq3A_1000 = arith.constant 0 : i32
      %eq3A_1001 = arith.cmpi eq, %jit3A_999, %eq3A_1000 : i32
      %jit3A_1002 = arith.constant 1 : i32
      %select_n3A_1003 = arith.select %eq3A_1001, %jit3A_1002, %jit3A_999 : i32
      %rem3A_1004 = arith.remsi %add3A_998, %select_n3A_1003 : i32
      %ne3A_1005 = arith.constant 0 : i32
      %ne3A_1006 = arith.cmpi ne, %rem3A_1004, %ne3A_1005 : i32
      %lt3A_1007 = arith.constant 0 : i32
      %lt3A_1008 = arith.cmpi slt, %rem3A_1004, %lt3A_1007 : i32
      %lt3A_1009 = arith.constant 0 : i32
      %lt3A_1010 = arith.cmpi slt, %select_n3A_1003, %lt3A_1009 : i32
      %ne3A_1011 = arith.xori %lt3A_1008, %lt3A_1010 : i1
      %and3A_1012 = arith.andi %ne3A_1011, %ne3A_1006 : i1
      %add3A_1013 = arith.addi %rem3A_1004, %select_n3A_1003 : i32
      %select_n3A_1014 = arith.select %and3A_1012, %add3A_1013, %rem3A_1004 : i32
      %dma_start3A_1015 = arith.constant 0 : i32
      %dma_start3A_1016 = tpu.memref_slice %arg5[%select_n3A_996, %select_n3A_1014, %dma_start3A_1015] : memref<25x8x128xi32, #tpu.memory_space<vmem>> -> memref<1x1x128xi32, #tpu.memory_space<vmem>>
      %dma_start3A_1017 = tpu.memref_squeeze %dma_start3A_1016 : memref<1x1x128xi32, #tpu.memory_space<vmem>> -> memref<128xi32, #tpu.memory_space<vmem>>
      %dma_start3A_1018 = arith.constant 0 : i32
      %dma_start3A_1019 = arith.constant 0 : i32
      %dma_start3A_1020 = tpu.memref_slice %arg3[%dma_start3A_1018, %dma_start3A_1019] : memref<5376x24xf32, #tpu.memory_space<hbm>> -> memref<5376x24xf32, #tpu.memory_space<hbm>>
      tpu.enqueue_indirect_dma source(%dma_start3A_1020 : memref<5376x24xf32, #tpu.memory_space<hbm>>) target(%arg25 : memref<128x24xf32, #tpu.memory_space<vmem>>) offsets(%dma_start3A_1017 : memref<128xi32, #tpu.memory_space<vmem>>) semaphore(%arg6 : memref<!tpu.dma_semaphore, #tpu.memory_space<semaphore_mem>>)
      %add3A_1021 = arith.constant 18 : i32
      %add3A_1022 = arith.addi %mul3A_131, %add3A_1021 : i32
      %jit3A_1023 = arith.constant 8 : i32
      %div3A_1024 = arith.divsi %add3A_1022, %jit3A_1023 : i32
      %sign3A_1025 = arith.constant 0 : i32
      %sign3A_1026 = arith.cmpi sgt, %add3A_1022, %sign3A_1025 : i32
      %sign3A_1027 = arith.extui %sign3A_1026 : i1 to i32
      %sign3A_1028 = arith.constant 0 : i32
      %sign3A_1029 = arith.cmpi slt, %add3A_1022, %sign3A_1028 : i32
      %sign3A_1030 = arith.extui %sign3A_1029 : i1 to i32
      %sign3A_1031 = arith.subi %sign3A_1027, %sign3A_1030 : i32
      %sign3A_1032 = arith.constant 0 : i32
      %sign3A_1033 = arith.cmpi sgt, %jit3A_1023, %sign3A_1032 : i32
      %sign3A_1034 = arith.extui %sign3A_1033 : i1 to i32
      %sign3A_1035 = arith.constant 0 : i32
      %sign3A_1036 = arith.cmpi slt, %jit3A_1023, %sign3A_1035 : i32
      %sign3A_1037 = arith.extui %sign3A_1036 : i1 to i32
      %sign3A_1038 = arith.subi %sign3A_1034, %sign3A_1037 : i32
      %ne3A_1039 = arith.cmpi ne, %sign3A_1031, %sign3A_1038 : i32
      %rem3A_1040 = arith.remsi %add3A_1022, %jit3A_1023 : i32
      %ne3A_1041 = arith.constant 0 : i32
      %ne3A_1042 = arith.cmpi ne, %rem3A_1040, %ne3A_1041 : i32
      %and3A_1043 = arith.andi %ne3A_1039, %ne3A_1042 : i1
      %sub3A_1044 = arith.constant 1 : i32
      %sub3A_1045 = arith.subi %div3A_1024, %sub3A_1044 : i32
      %select_n3A_1046 = arith.select %and3A_1043, %sub3A_1045, %div3A_1024 : i32
      %add3A_1047 = arith.constant 18 : i32
      %add3A_1048 = arith.addi %mul3A_131, %add3A_1047 : i32
      %jit3A_1049 = arith.constant 8 : i32
      %eq3A_1050 = arith.constant 0 : i32
      %eq3A_1051 = arith.cmpi eq, %jit3A_1049, %eq3A_1050 : i32
      %jit3A_1052 = arith.constant 1 : i32
      %select_n3A_1053 = arith.select %eq3A_1051, %jit3A_1052, %jit3A_1049 : i32
      %rem3A_1054 = arith.remsi %add3A_1048, %select_n3A_1053 : i32
      %ne3A_1055 = arith.constant 0 : i32
      %ne3A_1056 = arith.cmpi ne, %rem3A_1054, %ne3A_1055 : i32
      %lt3A_1057 = arith.constant 0 : i32
      %lt3A_1058 = arith.cmpi slt, %rem3A_1054, %lt3A_1057 : i32
      %lt3A_1059 = arith.constant 0 : i32
      %lt3A_1060 = arith.cmpi slt, %select_n3A_1053, %lt3A_1059 : i32
      %ne3A_1061 = arith.xori %lt3A_1058, %lt3A_1060 : i1
      %and3A_1062 = arith.andi %ne3A_1061, %ne3A_1056 : i1
      %add3A_1063 = arith.addi %rem3A_1054, %select_n3A_1053 : i32
      %select_n3A_1064 = arith.select %and3A_1062, %add3A_1063, %rem3A_1054 : i32
      %dma_start3A_1065 = arith.constant 0 : i32
      %dma_start3A_1066 = tpu.memref_slice %arg5[%select_n3A_1046, %select_n3A_1064, %dma_start3A_1065] : memref<25x8x128xi32, #tpu.memory_space<vmem>> -> memref<1x1x128xi32, #tpu.memory_space<vmem>>
      %dma_start3A_1067 = tpu.memref_squeeze %dma_start3A_1066 : memref<1x1x128xi32, #tpu.memory_space<vmem>> -> memref<128xi32, #tpu.memory_space<vmem>>
      %dma_start3A_1068 = arith.constant 0 : i32
      %dma_start3A_1069 = arith.constant 0 : i32
      %dma_start3A_1070 = tpu.memref_slice %arg3[%dma_start3A_1068, %dma_start3A_1069] : memref<5376x24xf32, #tpu.memory_space<hbm>> -> memref<5376x24xf32, #tpu.memory_space<hbm>>
      tpu.enqueue_indirect_dma source(%dma_start3A_1070 : memref<5376x24xf32, #tpu.memory_space<hbm>>) target(%arg26 : memref<128x24xf32, #tpu.memory_space<vmem>>) offsets(%dma_start3A_1067 : memref<128xi32, #tpu.memory_space<vmem>>) semaphore(%arg6 : memref<!tpu.dma_semaphore, #tpu.memory_space<semaphore_mem>>)
      %add3A_1071 = arith.constant 19 : i32
      %add3A_1072 = arith.addi %mul3A_131, %add3A_1071 : i32
      %jit3A_1073 = arith.constant 8 : i32
      %div3A_1074 = arith.divsi %add3A_1072, %jit3A_1073 : i32
      %sign3A_1075 = arith.constant 0 : i32
      %sign3A_1076 = arith.cmpi sgt, %add3A_1072, %sign3A_1075 : i32
      %sign3A_1077 = arith.extui %sign3A_1076 : i1 to i32
      %sign3A_1078 = arith.constant 0 : i32
      %sign3A_1079 = arith.cmpi slt, %add3A_1072, %sign3A_1078 : i32
      %sign3A_1080 = arith.extui %sign3A_1079 : i1 to i32
      %sign3A_1081 = arith.subi %sign3A_1077, %sign3A_1080 : i32
      %sign3A_1082 = arith.constant 0 : i32
      %sign3A_1083 = arith.cmpi sgt, %jit3A_1073, %sign3A_1082 : i32
      %sign3A_1084 = arith.extui %sign3A_1083 : i1 to i32
      %sign3A_1085 = arith.constant 0 : i32
      %sign3A_1086 = arith.cmpi slt, %jit3A_1073, %sign3A_1085 : i32
      %sign3A_1087 = arith.extui %sign3A_1086 : i1 to i32
      %sign3A_1088 = arith.subi %sign3A_1084, %sign3A_1087 : i32
      %ne3A_1089 = arith.cmpi ne, %sign3A_1081, %sign3A_1088 : i32
      %rem3A_1090 = arith.remsi %add3A_1072, %jit3A_1073 : i32
      %ne3A_1091 = arith.constant 0 : i32
      %ne3A_1092 = arith.cmpi ne, %rem3A_1090, %ne3A_1091 : i32
      %and3A_1093 = arith.andi %ne3A_1089, %ne3A_1092 : i1
      %sub3A_1094 = arith.constant 1 : i32
      %sub3A_1095 = arith.subi %div3A_1074, %sub3A_1094 : i32
      %select_n3A_1096 = arith.select %and3A_1093, %sub3A_1095, %div3A_1074 : i32
      %add3A_1097 = arith.constant 19 : i32
      %add3A_1098 = arith.addi %mul3A_131, %add3A_1097 : i32
      %jit3A_1099 = arith.constant 8 : i32
      %eq3A_1100 = arith.constant 0 : i32
      %eq3A_1101 = arith.cmpi eq, %jit3A_1099, %eq3A_1100 : i32
      %jit3A_1102 = arith.constant 1 : i32
      %select_n3A_1103 = arith.select %eq3A_1101, %jit3A_1102, %jit3A_1099 : i32
      %rem3A_1104 = arith.remsi %add3A_1098, %select_n3A_1103 : i32
      %ne3A_1105 = arith.constant 0 : i32
      %ne3A_1106 = arith.cmpi ne, %rem3A_1104, %ne3A_1105 : i32
      %lt3A_1107 = arith.constant 0 : i32
      %lt3A_1108 = arith.cmpi slt, %rem3A_1104, %lt3A_1107 : i32
      %lt3A_1109 = arith.constant 0 : i32
      %lt3A_1110 = arith.cmpi slt, %select_n3A_1103, %lt3A_1109 : i32
      %ne3A_1111 = arith.xori %lt3A_1108, %lt3A_1110 : i1
      %and3A_1112 = arith.andi %ne3A_1111, %ne3A_1106 : i1
      %add3A_1113 = arith.addi %rem3A_1104, %select_n3A_1103 : i32
      %select_n3A_1114 = arith.select %and3A_1112, %add3A_1113, %rem3A_1104 : i32
      %dma_start3A_1115 = arith.constant 0 : i32
      %dma_start3A_1116 = tpu.memref_slice %arg5[%select_n3A_1096, %select_n3A_1114, %dma_start3A_1115] : memref<25x8x128xi32, #tpu.memory_space<vmem>> -> memref<1x1x128xi32, #tpu.memory_space<vmem>>
      %dma_start3A_1117 = tpu.memref_squeeze %dma_start3A_1116 : memref<1x1x128xi32, #tpu.memory_space<vmem>> -> memref<128xi32, #tpu.memory_space<vmem>>
      %dma_start3A_1118 = arith.constant 0 : i32
      %dma_start3A_1119 = arith.constant 0 : i32
      %dma_start3A_1120 = tpu.memref_slice %arg3[%dma_start3A_1118, %dma_start3A_1119] : memref<5376x24xf32, #tpu.memory_space<hbm>> -> memref<5376x24xf32, #tpu.memory_space<hbm>>
      tpu.enqueue_indirect_dma source(%dma_start3A_1120 : memref<5376x24xf32, #tpu.memory_space<hbm>>) target(%arg27 : memref<128x24xf32, #tpu.memory_space<vmem>>) offsets(%dma_start3A_1117 : memref<128xi32, #tpu.memory_space<vmem>>) semaphore(%arg6 : memref<!tpu.dma_semaphore, #tpu.memory_space<semaphore_mem>>)
      %dma_wait3A_1121 = arith.constant 0 : i32
      %dma_wait3A_1122 = tpu.memref_slice %arg5[%select_n3A, %select_n3A_165, %dma_wait3A_1121] : memref<25x8x128xi32, #tpu.memory_space<vmem>> -> memref<1x1x128xi32, #tpu.memory_space<vmem>>
      %dma_wait3A_1123 = tpu.memref_squeeze %dma_wait3A_1122 : memref<1x1x128xi32, #tpu.memory_space<vmem>> -> memref<128xi32, #tpu.memory_space<vmem>>
      %dma_wait3A_1124 = arith.constant 0 : i32
      %dma_wait3A_1125 = arith.constant 0 : i32
      %dma_wait3A_1126 = tpu.memref_slice %arg3[%dma_wait3A_1124, %dma_wait3A_1125] : memref<5376x24xf32, #tpu.memory_space<hbm>> -> memref<5376x24xf32, #tpu.memory_space<hbm>>
      tpu.wait_indirect_dma semaphore(%arg6 : memref<!tpu.dma_semaphore, #tpu.memory_space<semaphore_mem>>) src(%dma_wait3A_1126 : memref<5376x24xf32, #tpu.memory_space<hbm>>) dst(%arg8 : memref<128x24xf32, #tpu.memory_space<vmem>>)
      %dma_wait3A_1127 = arith.constant 0 : i32
      %dma_wait3A_1128 = tpu.memref_slice %arg5[%select_n3A_196, %select_n3A_214, %dma_wait3A_1127] : memref<25x8x128xi32, #tpu.memory_space<vmem>> -> memref<1x1x128xi32, #tpu.memory_space<vmem>>
      %dma_wait3A_1129 = tpu.memref_squeeze %dma_wait3A_1128 : memref<1x1x128xi32, #tpu.memory_space<vmem>> -> memref<128xi32, #tpu.memory_space<vmem>>
      %dma_wait3A_1130 = arith.constant 0 : i32
      %dma_wait3A_1131 = arith.constant 0 : i32
      %dma_wait3A_1132 = tpu.memref_slice %arg3[%dma_wait3A_1130, %dma_wait3A_1131] : memref<5376x24xf32, #tpu.memory_space<hbm>> -> memref<5376x24xf32, #tpu.memory_space<hbm>>
      tpu.wait_indirect_dma semaphore(%arg6 : memref<!tpu.dma_semaphore, #tpu.memory_space<semaphore_mem>>) src(%dma_wait3A_1132 : memref<5376x24xf32, #tpu.memory_space<hbm>>) dst(%arg9 : memref<128x24xf32, #tpu.memory_space<vmem>>)
      %dma_wait3A_1133 = arith.constant 0 : i32
      %dma_wait3A_1134 = tpu.memref_slice %arg5[%select_n3A_246, %select_n3A_264, %dma_wait3A_1133] : memref<25x8x128xi32, #tpu.memory_space<vmem>> -> memref<1x1x128xi32, #tpu.memory_space<vmem>>
      %dma_wait3A_1135 = tpu.memref_squeeze %dma_wait3A_1134 : memref<1x1x128xi32, #tpu.memory_space<vmem>> -> memref<128xi32, #tpu.memory_space<vmem>>
      %dma_wait3A_1136 = arith.constant 0 : i32
      %dma_wait3A_1137 = arith.constant 0 : i32
      %dma_wait3A_1138 = tpu.memref_slice %arg3[%dma_wait3A_1136, %dma_wait3A_1137] : memref<5376x24xf32, #tpu.memory_space<hbm>> -> memref<5376x24xf32, #tpu.memory_space<hbm>>
      tpu.wait_indirect_dma semaphore(%arg6 : memref<!tpu.dma_semaphore, #tpu.memory_space<semaphore_mem>>) src(%dma_wait3A_1138 : memref<5376x24xf32, #tpu.memory_space<hbm>>) dst(%arg10 : memref<128x24xf32, #tpu.memory_space<vmem>>)
      %dma_wait3A_1139 = arith.constant 0 : i32
      %dma_wait3A_1140 = tpu.memref_slice %arg5[%select_n3A_296, %select_n3A_314, %dma_wait3A_1139] : memref<25x8x128xi32, #tpu.memory_space<vmem>> -> memref<1x1x128xi32, #tpu.memory_space<vmem>>
      %dma_wait3A_1141 = tpu.memref_squeeze %dma_wait3A_1140 : memref<1x1x128xi32, #tpu.memory_space<vmem>> -> memref<128xi32, #tpu.memory_space<vmem>>
      %dma_wait3A_1142 = arith.constant 0 : i32
      %dma_wait3A_1143 = arith.constant 0 : i32
      %dma_wait3A_1144 = tpu.memref_slice %arg3[%dma_wait3A_1142, %dma_wait3A_1143] : memref<5376x24xf32, #tpu.memory_space<hbm>> -> memref<5376x24xf32, #tpu.memory_space<hbm>>
      tpu.wait_indirect_dma semaphore(%arg6 : memref<!tpu.dma_semaphore, #tpu.memory_space<semaphore_mem>>) src(%dma_wait3A_1144 : memref<5376x24xf32, #tpu.memory_space<hbm>>) dst(%arg11 : memref<128x24xf32, #tpu.memory_space<vmem>>)
      %dma_wait3A_1145 = arith.constant 0 : i32
      %dma_wait3A_1146 = tpu.memref_slice %arg5[%select_n3A_346, %select_n3A_364, %dma_wait3A_1145] : memref<25x8x128xi32, #tpu.memory_space<vmem>> -> memref<1x1x128xi32, #tpu.memory_space<vmem>>
      %dma_wait3A_1147 = tpu.memref_squeeze %dma_wait3A_1146 : memref<1x1x128xi32, #tpu.memory_space<vmem>> -> memref<128xi32, #tpu.memory_space<vmem>>
      %dma_wait3A_1148 = arith.constant 0 : i32
      %dma_wait3A_1149 = arith.constant 0 : i32
      %dma_wait3A_1150 = tpu.memref_slice %arg3[%dma_wait3A_1148, %dma_wait3A_1149] : memref<5376x24xf32, #tpu.memory_space<hbm>> -> memref<5376x24xf32, #tpu.memory_space<hbm>>
      tpu.wait_indirect_dma semaphore(%arg6 : memref<!tpu.dma_semaphore, #tpu.memory_space<semaphore_mem>>) src(%dma_wait3A_1150 : memref<5376x24xf32, #tpu.memory_space<hbm>>) dst(%arg12 : memref<128x24xf32, #tpu.memory_space<vmem>>)
      %dma_wait3A_1151 = arith.constant 0 : i32
      %dma_wait3A_1152 = tpu.memref_slice %arg5[%select_n3A_396, %select_n3A_414, %dma_wait3A_1151] : memref<25x8x128xi32, #tpu.memory_space<vmem>> -> memref<1x1x128xi32, #tpu.memory_space<vmem>>
      %dma_wait3A_1153 = tpu.memref_squeeze %dma_wait3A_1152 : memref<1x1x128xi32, #tpu.memory_space<vmem>> -> memref<128xi32, #tpu.memory_space<vmem>>
      %dma_wait3A_1154 = arith.constant 0 : i32
      %dma_wait3A_1155 = arith.constant 0 : i32
      %dma_wait3A_1156 = tpu.memref_slice %arg3[%dma_wait3A_1154, %dma_wait3A_1155] : memref<5376x24xf32, #tpu.memory_space<hbm>> -> memref<5376x24xf32, #tpu.memory_space<hbm>>
      tpu.wait_indirect_dma semaphore(%arg6 : memref<!tpu.dma_semaphore, #tpu.memory_space<semaphore_mem>>) src(%dma_wait3A_1156 : memref<5376x24xf32, #tpu.memory_space<hbm>>) dst(%arg13 : memref<128x24xf32, #tpu.memory_space<vmem>>)
      %dma_wait3A_1157 = arith.constant 0 : i32
      %dma_wait3A_1158 = tpu.memref_slice %arg5[%select_n3A_446, %select_n3A_464, %dma_wait3A_1157] : memref<25x8x128xi32, #tpu.memory_space<vmem>> -> memref<1x1x128xi32, #tpu.memory_space<vmem>>
      %dma_wait3A_1159 = tpu.memref_squeeze %dma_wait3A_1158 : memref<1x1x128xi32, #tpu.memory_space<vmem>> -> memref<128xi32, #tpu.memory_space<vmem>>
      %dma_wait3A_1160 = arith.constant 0 : i32
      %dma_wait3A_1161 = arith.constant 0 : i32
      %dma_wait3A_1162 = tpu.memref_slice %arg3[%dma_wait3A_1160, %dma_wait3A_1161] : memref<5376x24xf32, #tpu.memory_space<hbm>> -> memref<5376x24xf32, #tpu.memory_space<hbm>>
      tpu.wait_indirect_dma semaphore(%arg6 : memref<!tpu.dma_semaphore, #tpu.memory_space<semaphore_mem>>) src(%dma_wait3A_1162 : memref<5376x24xf32, #tpu.memory_space<hbm>>) dst(%arg14 : memref<128x24xf32, #tpu.memory_space<vmem>>)
      %dma_wait3A_1163 = arith.constant 0 : i32
      %dma_wait3A_1164 = tpu.memref_slice %arg5[%select_n3A_496, %select_n3A_514, %dma_wait3A_1163] : memref<25x8x128xi32, #tpu.memory_space<vmem>> -> memref<1x1x128xi32, #tpu.memory_space<vmem>>
      %dma_wait3A_1165 = tpu.memref_squeeze %dma_wait3A_1164 : memref<1x1x128xi32, #tpu.memory_space<vmem>> -> memref<128xi32, #tpu.memory_space<vmem>>
      %dma_wait3A_1166 = arith.constant 0 : i32
      %dma_wait3A_1167 = arith.constant 0 : i32
      %dma_wait3A_1168 = tpu.memref_slice %arg3[%dma_wait3A_1166, %dma_wait3A_1167] : memref<5376x24xf32, #tpu.memory_space<hbm>> -> memref<5376x24xf32, #tpu.memory_space<hbm>>
      tpu.wait_indirect_dma semaphore(%arg6 : memref<!tpu.dma_semaphore, #tpu.memory_space<semaphore_mem>>) src(%dma_wait3A_1168 : memref<5376x24xf32, #tpu.memory_space<hbm>>) dst(%arg15 : memref<128x24xf32, #tpu.memory_space<vmem>>)
      %dma_wait3A_1169 = arith.constant 0 : i32
      %dma_wait3A_1170 = tpu.memref_slice %arg5[%select_n3A_546, %select_n3A_564, %dma_wait3A_1169] : memref<25x8x128xi32, #tpu.memory_space<vmem>> -> memref<1x1x128xi32, #tpu.memory_space<vmem>>
      %dma_wait3A_1171 = tpu.memref_squeeze %dma_wait3A_1170 : memref<1x1x128xi32, #tpu.memory_space<vmem>> -> memref<128xi32, #tpu.memory_space<vmem>>
      %dma_wait3A_1172 = arith.constant 0 : i32
      %dma_wait3A_1173 = arith.constant 0 : i32
      %dma_wait3A_1174 = tpu.memref_slice %arg3[%dma_wait3A_1172, %dma_wait3A_1173] : memref<5376x24xf32, #tpu.memory_space<hbm>> -> memref<5376x24xf32, #tpu.memory_space<hbm>>
      tpu.wait_indirect_dma semaphore(%arg6 : memref<!tpu.dma_semaphore, #tpu.memory_space<semaphore_mem>>) src(%dma_wait3A_1174 : memref<5376x24xf32, #tpu.memory_space<hbm>>) dst(%arg16 : memref<128x24xf32, #tpu.memory_space<vmem>>)
      %dma_wait3A_1175 = arith.constant 0 : i32
      %dma_wait3A_1176 = tpu.memref_slice %arg5[%select_n3A_596, %select_n3A_614, %dma_wait3A_1175] : memref<25x8x128xi32, #tpu.memory_space<vmem>> -> memref<1x1x128xi32, #tpu.memory_space<vmem>>
      %dma_wait3A_1177 = tpu.memref_squeeze %dma_wait3A_1176 : memref<1x1x128xi32, #tpu.memory_space<vmem>> -> memref<128xi32, #tpu.memory_space<vmem>>
      %dma_wait3A_1178 = arith.constant 0 : i32
      %dma_wait3A_1179 = arith.constant 0 : i32
      %dma_wait3A_1180 = tpu.memref_slice %arg3[%dma_wait3A_1178, %dma_wait3A_1179] : memref<5376x24xf32, #tpu.memory_space<hbm>> -> memref<5376x24xf32, #tpu.memory_space<hbm>>
      tpu.wait_indirect_dma semaphore(%arg6 : memref<!tpu.dma_semaphore, #tpu.memory_space<semaphore_mem>>) src(%dma_wait3A_1180 : memref<5376x24xf32, #tpu.memory_space<hbm>>) dst(%arg17 : memref<128x24xf32, #tpu.memory_space<vmem>>)
      %dma_wait3A_1181 = arith.constant 0 : i32
      %dma_wait3A_1182 = tpu.memref_slice %arg5[%select_n3A_646, %select_n3A_664, %dma_wait3A_1181] : memref<25x8x128xi32, #tpu.memory_space<vmem>> -> memref<1x1x128xi32, #tpu.memory_space<vmem>>
      %dma_wait3A_1183 = tpu.memref_squeeze %dma_wait3A_1182 : memref<1x1x128xi32, #tpu.memory_space<vmem>> -> memref<128xi32, #tpu.memory_space<vmem>>
      %dma_wait3A_1184 = arith.constant 0 : i32
      %dma_wait3A_1185 = arith.constant 0 : i32
      %dma_wait3A_1186 = tpu.memref_slice %arg3[%dma_wait3A_1184, %dma_wait3A_1185] : memref<5376x24xf32, #tpu.memory_space<hbm>> -> memref<5376x24xf32, #tpu.memory_space<hbm>>
      tpu.wait_indirect_dma semaphore(%arg6 : memref<!tpu.dma_semaphore, #tpu.memory_space<semaphore_mem>>) src(%dma_wait3A_1186 : memref<5376x24xf32, #tpu.memory_space<hbm>>) dst(%arg18 : memref<128x24xf32, #tpu.memory_space<vmem>>)
      %dma_wait3A_1187 = arith.constant 0 : i32
      %dma_wait3A_1188 = tpu.memref_slice %arg5[%select_n3A_696, %select_n3A_714, %dma_wait3A_1187] : memref<25x8x128xi32, #tpu.memory_space<vmem>> -> memref<1x1x128xi32, #tpu.memory_space<vmem>>
      %dma_wait3A_1189 = tpu.memref_squeeze %dma_wait3A_1188 : memref<1x1x128xi32, #tpu.memory_space<vmem>> -> memref<128xi32, #tpu.memory_space<vmem>>
      %dma_wait3A_1190 = arith.constant 0 : i32
      %dma_wait3A_1191 = arith.constant 0 : i32
      %dma_wait3A_1192 = tpu.memref_slice %arg3[%dma_wait3A_1190, %dma_wait3A_1191] : memref<5376x24xf32, #tpu.memory_space<hbm>> -> memref<5376x24xf32, #tpu.memory_space<hbm>>
      tpu.wait_indirect_dma semaphore(%arg6 : memref<!tpu.dma_semaphore, #tpu.memory_space<semaphore_mem>>) src(%dma_wait3A_1192 : memref<5376x24xf32, #tpu.memory_space<hbm>>) dst(%arg19 : memref<128x24xf32, #tpu.memory_space<vmem>>)
      %dma_wait3A_1193 = arith.constant 0 : i32
      %dma_wait3A_1194 = tpu.memref_slice %arg5[%select_n3A_746, %select_n3A_764, %dma_wait3A_1193] : memref<25x8x128xi32, #tpu.memory_space<vmem>> -> memref<1x1x128xi32, #tpu.memory_space<vmem>>
      %dma_wait3A_1195 = tpu.memref_squeeze %dma_wait3A_1194 : memref<1x1x128xi32, #tpu.memory_space<vmem>> -> memref<128xi32, #tpu.memory_space<vmem>>
      %dma_wait3A_1196 = arith.constant 0 : i32
      %dma_wait3A_1197 = arith.constant 0 : i32
      %dma_wait3A_1198 = tpu.memref_slice %arg3[%dma_wait3A_1196, %dma_wait3A_1197] : memref<5376x24xf32, #tpu.memory_space<hbm>> -> memref<5376x24xf32, #tpu.memory_space<hbm>>
      tpu.wait_indirect_dma semaphore(%arg6 : memref<!tpu.dma_semaphore, #tpu.memory_space<semaphore_mem>>) src(%dma_wait3A_1198 : memref<5376x24xf32, #tpu.memory_space<hbm>>) dst(%arg20 : memref<128x24xf32, #tpu.memory_space<vmem>>)
      %dma_wait3A_1199 = arith.constant 0 : i32
      %dma_wait3A_1200 = tpu.memref_slice %arg5[%select_n3A_796, %select_n3A_814, %dma_wait3A_1199] : memref<25x8x128xi32, #tpu.memory_space<vmem>> -> memref<1x1x128xi32, #tpu.memory_space<vmem>>
      %dma_wait3A_1201 = tpu.memref_squeeze %dma_wait3A_1200 : memref<1x1x128xi32, #tpu.memory_space<vmem>> -> memref<128xi32, #tpu.memory_space<vmem>>
      %dma_wait3A_1202 = arith.constant 0 : i32
      %dma_wait3A_1203 = arith.constant 0 : i32
      %dma_wait3A_1204 = tpu.memref_slice %arg3[%dma_wait3A_1202, %dma_wait3A_1203] : memref<5376x24xf32, #tpu.memory_space<hbm>> -> memref<5376x24xf32, #tpu.memory_space<hbm>>
      tpu.wait_indirect_dma semaphore(%arg6 : memref<!tpu.dma_semaphore, #tpu.memory_space<semaphore_mem>>) src(%dma_wait3A_1204 : memref<5376x24xf32, #tpu.memory_space<hbm>>) dst(%arg21 : memref<128x24xf32, #tpu.memory_space<vmem>>)
      %dma_wait3A_1205 = arith.constant 0 : i32
      %dma_wait3A_1206 = tpu.memref_slice %arg5[%select_n3A_846, %select_n3A_864, %dma_wait3A_1205] : memref<25x8x128xi32, #tpu.memory_space<vmem>> -> memref<1x1x128xi32, #tpu.memory_space<vmem>>
      %dma_wait3A_1207 = tpu.memref_squeeze %dma_wait3A_1206 : memref<1x1x128xi32, #tpu.memory_space<vmem>> -> memref<128xi32, #tpu.memory_space<vmem>>
      %dma_wait3A_1208 = arith.constant 0 : i32
      %dma_wait3A_1209 = arith.constant 0 : i32
      %dma_wait3A_1210 = tpu.memref_slice %arg3[%dma_wait3A_1208, %dma_wait3A_1209] : memref<5376x24xf32, #tpu.memory_space<hbm>> -> memref<5376x24xf32, #tpu.memory_space<hbm>>
      tpu.wait_indirect_dma semaphore(%arg6 : memref<!tpu.dma_semaphore, #tpu.memory_space<semaphore_mem>>) src(%dma_wait3A_1210 : memref<5376x24xf32, #tpu.memory_space<hbm>>) dst(%arg22 : memref<128x24xf32, #tpu.memory_space<vmem>>)
      %dma_wait3A_1211 = arith.constant 0 : i32
      %dma_wait3A_1212 = tpu.memref_slice %arg5[%select_n3A_896, %select_n3A_914, %dma_wait3A_1211] : memref<25x8x128xi32, #tpu.memory_space<vmem>> -> memref<1x1x128xi32, #tpu.memory_space<vmem>>
      %dma_wait3A_1213 = tpu.memref_squeeze %dma_wait3A_1212 : memref<1x1x128xi32, #tpu.memory_space<vmem>> -> memref<128xi32, #tpu.memory_space<vmem>>
      %dma_wait3A_1214 = arith.constant 0 : i32
      %dma_wait3A_1215 = arith.constant 0 : i32
      %dma_wait3A_1216 = tpu.memref_slice %arg3[%dma_wait3A_1214, %dma_wait3A_1215] : memref<5376x24xf32, #tpu.memory_space<hbm>> -> memref<5376x24xf32, #tpu.memory_space<hbm>>
      tpu.wait_indirect_dma semaphore(%arg6 : memref<!tpu.dma_semaphore, #tpu.memory_space<semaphore_mem>>) src(%dma_wait3A_1216 : memref<5376x24xf32, #tpu.memory_space<hbm>>) dst(%arg23 : memref<128x24xf32, #tpu.memory_space<vmem>>)
      %dma_wait3A_1217 = arith.constant 0 : i32
      %dma_wait3A_1218 = tpu.memref_slice %arg5[%select_n3A_946, %select_n3A_964, %dma_wait3A_1217] : memref<25x8x128xi32, #tpu.memory_space<vmem>> -> memref<1x1x128xi32, #tpu.memory_space<vmem>>
      %dma_wait3A_1219 = tpu.memref_squeeze %dma_wait3A_1218 : memref<1x1x128xi32, #tpu.memory_space<vmem>> -> memref<128xi32, #tpu.memory_space<vmem>>
      %dma_wait3A_1220 = arith.constant 0 : i32
      %dma_wait3A_1221 = arith.constant 0 : i32
      %dma_wait3A_1222 = tpu.memref_slice %arg3[%dma_wait3A_1220, %dma_wait3A_1221] : memref<5376x24xf32, #tpu.memory_space<hbm>> -> memref<5376x24xf32, #tpu.memory_space<hbm>>
      tpu.wait_indirect_dma semaphore(%arg6 : memref<!tpu.dma_semaphore, #tpu.memory_space<semaphore_mem>>) src(%dma_wait3A_1222 : memref<5376x24xf32, #tpu.memory_space<hbm>>) dst(%arg24 : memref<128x24xf32, #tpu.memory_space<vmem>>)
      %dma_wait3A_1223 = arith.constant 0 : i32
      %dma_wait3A_1224 = tpu.memref_slice %arg5[%select_n3A_996, %select_n3A_1014, %dma_wait3A_1223] : memref<25x8x128xi32, #tpu.memory_space<vmem>> -> memref<1x1x128xi32, #tpu.memory_space<vmem>>
      %dma_wait3A_1225 = tpu.memref_squeeze %dma_wait3A_1224 : memref<1x1x128xi32, #tpu.memory_space<vmem>> -> memref<128xi32, #tpu.memory_space<vmem>>
      %dma_wait3A_1226 = arith.constant 0 : i32
      %dma_wait3A_1227 = arith.constant 0 : i32
      %dma_wait3A_1228 = tpu.memref_slice %arg3[%dma_wait3A_1226, %dma_wait3A_1227] : memref<5376x24xf32, #tpu.memory_space<hbm>> -> memref<5376x24xf32, #tpu.memory_space<hbm>>
      tpu.wait_indirect_dma semaphore(%arg6 : memref<!tpu.dma_semaphore, #tpu.memory_space<semaphore_mem>>) src(%dma_wait3A_1228 : memref<5376x24xf32, #tpu.memory_space<hbm>>) dst(%arg25 : memref<128x24xf32, #tpu.memory_space<vmem>>)
      %dma_wait3A_1229 = arith.constant 0 : i32
      %dma_wait3A_1230 = tpu.memref_slice %arg5[%select_n3A_1046, %select_n3A_1064, %dma_wait3A_1229] : memref<25x8x128xi32, #tpu.memory_space<vmem>> -> memref<1x1x128xi32, #tpu.memory_space<vmem>>
      %dma_wait3A_1231 = tpu.memref_squeeze %dma_wait3A_1230 : memref<1x1x128xi32, #tpu.memory_space<vmem>> -> memref<128xi32, #tpu.memory_space<vmem>>
      %dma_wait3A_1232 = arith.constant 0 : i32
      %dma_wait3A_1233 = arith.constant 0 : i32
      %dma_wait3A_1234 = tpu.memref_slice %arg3[%dma_wait3A_1232, %dma_wait3A_1233] : memref<5376x24xf32, #tpu.memory_space<hbm>> -> memref<5376x24xf32, #tpu.memory_space<hbm>>
      tpu.wait_indirect_dma semaphore(%arg6 : memref<!tpu.dma_semaphore, #tpu.memory_space<semaphore_mem>>) src(%dma_wait3A_1234 : memref<5376x24xf32, #tpu.memory_space<hbm>>) dst(%arg26 : memref<128x24xf32, #tpu.memory_space<vmem>>)
      %dma_wait3A_1235 = arith.constant 0 : i32
      %dma_wait3A_1236 = tpu.memref_slice %arg5[%select_n3A_1096, %select_n3A_1114, %dma_wait3A_1235] : memref<25x8x128xi32, #tpu.memory_space<vmem>> -> memref<1x1x128xi32, #tpu.memory_space<vmem>>
      %dma_wait3A_1237 = tpu.memref_squeeze %dma_wait3A_1236 : memref<1x1x128xi32, #tpu.memory_space<vmem>> -> memref<128xi32, #tpu.memory_space<vmem>>
      %dma_wait3A_1238 = arith.constant 0 : i32
      %dma_wait3A_1239 = arith.constant 0 : i32
      %dma_wait3A_1240 = tpu.memref_slice %arg3[%dma_wait3A_1238, %dma_wait3A_1239] : memref<5376x24xf32, #tpu.memory_space<hbm>> -> memref<5376x24xf32, #tpu.memory_space<hbm>>
      tpu.wait_indirect_dma semaphore(%arg6 : memref<!tpu.dma_semaphore, #tpu.memory_space<semaphore_mem>>) src(%dma_wait3A_1240 : memref<5376x24xf32, #tpu.memory_space<hbm>>) dst(%arg27 : memref<128x24xf32, #tpu.memory_space<vmem>>)
      %mul3A_1241 = arith.constant 25600 : i32
      %mul3A_1242 = arith.muli %add3A, %mul3A_1241 : i32
      %mul3A_1243 = arith.constant 128 : i32
      %mul3A_1244 = arith.muli %mul3A_131, %mul3A_1243 : i32
      %add3A_1245 = arith.addi %mul3A_1242, %mul3A_1244 : i32
      %add3A_1246 = arith.constant 0 : i32
      %add3A_1247 = arith.addi %add3A_1245, %add3A_1246 : i32
      %dma_start3A_1248 = arith.constant 0 : i32
      %dma_start3A_1249 = tpu.memref_slice %arg4[%add3A_1247, %dma_start3A_1248] : memref<819200x24xf32, #tpu.memory_space<hbm>> -> memref<128x24xf32, #tpu.memory_space<hbm>>
      %dma_start3A_1250 = arith.constant 0 : i32
      %dma_start3A_1251 = tpu.memref_slice %arg4[%add3A_1247, %dma_start3A_1250] : memref<819200x24xf32, #tpu.memory_space<hbm>> -> memref<128x24xf32, #tpu.memory_space<hbm>>
      tpu.enqueue_dma source(%arg8 : memref<128x24xf32, #tpu.memory_space<vmem>>) target(%dma_start3A_1251 : memref<128x24xf32, #tpu.memory_space<hbm>>) target_semaphore(%arg7 : memref<!tpu.dma_semaphore, #tpu.memory_space<semaphore_mem>>)
      %add3A_1252 = arith.constant 128 : i32
      %add3A_1253 = arith.addi %add3A_1245, %add3A_1252 : i32
      %dma_start3A_1254 = arith.constant 0 : i32
      %dma_start3A_1255 = tpu.memref_slice %arg4[%add3A_1253, %dma_start3A_1254] : memref<819200x24xf32, #tpu.memory_space<hbm>> -> memref<128x24xf32, #tpu.memory_space<hbm>>
      %dma_start3A_1256 = arith.constant 0 : i32
      %dma_start3A_1257 = tpu.memref_slice %arg4[%add3A_1253, %dma_start3A_1256] : memref<819200x24xf32, #tpu.memory_space<hbm>> -> memref<128x24xf32, #tpu.memory_space<hbm>>
      tpu.enqueue_dma source(%arg9 : memref<128x24xf32, #tpu.memory_space<vmem>>) target(%dma_start3A_1257 : memref<128x24xf32, #tpu.memory_space<hbm>>) target_semaphore(%arg7 : memref<!tpu.dma_semaphore, #tpu.memory_space<semaphore_mem>>)
      %add3A_1258 = arith.constant 256 : i32
      %add3A_1259 = arith.addi %add3A_1245, %add3A_1258 : i32
      %dma_start3A_1260 = arith.constant 0 : i32
      %dma_start3A_1261 = tpu.memref_slice %arg4[%add3A_1259, %dma_start3A_1260] : memref<819200x24xf32, #tpu.memory_space<hbm>> -> memref<128x24xf32, #tpu.memory_space<hbm>>
      %dma_start3A_1262 = arith.constant 0 : i32
      %dma_start3A_1263 = tpu.memref_slice %arg4[%add3A_1259, %dma_start3A_1262] : memref<819200x24xf32, #tpu.memory_space<hbm>> -> memref<128x24xf32, #tpu.memory_space<hbm>>
      tpu.enqueue_dma source(%arg10 : memref<128x24xf32, #tpu.memory_space<vmem>>) target(%dma_start3A_1263 : memref<128x24xf32, #tpu.memory_space<hbm>>) target_semaphore(%arg7 : memref<!tpu.dma_semaphore, #tpu.memory_space<semaphore_mem>>)
      %add3A_1264 = arith.constant 384 : i32
      %add3A_1265 = arith.addi %add3A_1245, %add3A_1264 : i32
      %dma_start3A_1266 = arith.constant 0 : i32
      %dma_start3A_1267 = tpu.memref_slice %arg4[%add3A_1265, %dma_start3A_1266] : memref<819200x24xf32, #tpu.memory_space<hbm>> -> memref<128x24xf32, #tpu.memory_space<hbm>>
      %dma_start3A_1268 = arith.constant 0 : i32
      %dma_start3A_1269 = tpu.memref_slice %arg4[%add3A_1265, %dma_start3A_1268] : memref<819200x24xf32, #tpu.memory_space<hbm>> -> memref<128x24xf32, #tpu.memory_space<hbm>>
      tpu.enqueue_dma source(%arg11 : memref<128x24xf32, #tpu.memory_space<vmem>>) target(%dma_start3A_1269 : memref<128x24xf32, #tpu.memory_space<hbm>>) target_semaphore(%arg7 : memref<!tpu.dma_semaphore, #tpu.memory_space<semaphore_mem>>)
      %add3A_1270 = arith.constant 512 : i32
      %add3A_1271 = arith.addi %add3A_1245, %add3A_1270 : i32
      %dma_start3A_1272 = arith.constant 0 : i32
      %dma_start3A_1273 = tpu.memref_slice %arg4[%add3A_1271, %dma_start3A_1272] : memref<819200x24xf32, #tpu.memory_space<hbm>> -> memref<128x24xf32, #tpu.memory_space<hbm>>
      %dma_start3A_1274 = arith.constant 0 : i32
      %dma_start3A_1275 = tpu.memref_slice %arg4[%add3A_1271, %dma_start3A_1274] : memref<819200x24xf32, #tpu.memory_space<hbm>> -> memref<128x24xf32, #tpu.memory_space<hbm>>
      tpu.enqueue_dma source(%arg12 : memref<128x24xf32, #tpu.memory_space<vmem>>) target(%dma_start3A_1275 : memref<128x24xf32, #tpu.memory_space<hbm>>) target_semaphore(%arg7 : memref<!tpu.dma_semaphore, #tpu.memory_space<semaphore_mem>>)
      %add3A_1276 = arith.constant 640 : i32
      %add3A_1277 = arith.addi %add3A_1245, %add3A_1276 : i32
      %dma_start3A_1278 = arith.constant 0 : i32
      %dma_start3A_1279 = tpu.memref_slice %arg4[%add3A_1277, %dma_start3A_1278] : memref<819200x24xf32, #tpu.memory_space<hbm>> -> memref<128x24xf32, #tpu.memory_space<hbm>>
      %dma_start3A_1280 = arith.constant 0 : i32
      %dma_start3A_1281 = tpu.memref_slice %arg4[%add3A_1277, %dma_start3A_1280] : memref<819200x24xf32, #tpu.memory_space<hbm>> -> memref<128x24xf32, #tpu.memory_space<hbm>>
      tpu.enqueue_dma source(%arg13 : memref<128x24xf32, #tpu.memory_space<vmem>>) target(%dma_start3A_1281 : memref<128x24xf32, #tpu.memory_space<hbm>>) target_semaphore(%arg7 : memref<!tpu.dma_semaphore, #tpu.memory_space<semaphore_mem>>)
      %add3A_1282 = arith.constant 768 : i32
      %add3A_1283 = arith.addi %add3A_1245, %add3A_1282 : i32
      %dma_start3A_1284 = arith.constant 0 : i32
      %dma_start3A_1285 = tpu.memref_slice %arg4[%add3A_1283, %dma_start3A_1284] : memref<819200x24xf32, #tpu.memory_space<hbm>> -> memref<128x24xf32, #tpu.memory_space<hbm>>
      %dma_start3A_1286 = arith.constant 0 : i32
      %dma_start3A_1287 = tpu.memref_slice %arg4[%add3A_1283, %dma_start3A_1286] : memref<819200x24xf32, #tpu.memory_space<hbm>> -> memref<128x24xf32, #tpu.memory_space<hbm>>
      tpu.enqueue_dma source(%arg14 : memref<128x24xf32, #tpu.memory_space<vmem>>) target(%dma_start3A_1287 : memref<128x24xf32, #tpu.memory_space<hbm>>) target_semaphore(%arg7 : memref<!tpu.dma_semaphore, #tpu.memory_space<semaphore_mem>>)
      %add3A_1288 = arith.constant 896 : i32
      %add3A_1289 = arith.addi %add3A_1245, %add3A_1288 : i32
      %dma_start3A_1290 = arith.constant 0 : i32
      %dma_start3A_1291 = tpu.memref_slice %arg4[%add3A_1289, %dma_start3A_1290] : memref<819200x24xf32, #tpu.memory_space<hbm>> -> memref<128x24xf32, #tpu.memory_space<hbm>>
      %dma_start3A_1292 = arith.constant 0 : i32
      %dma_start3A_1293 = tpu.memref_slice %arg4[%add3A_1289, %dma_start3A_1292] : memref<819200x24xf32, #tpu.memory_space<hbm>> -> memref<128x24xf32, #tpu.memory_space<hbm>>
      tpu.enqueue_dma source(%arg15 : memref<128x24xf32, #tpu.memory_space<vmem>>) target(%dma_start3A_1293 : memref<128x24xf32, #tpu.memory_space<hbm>>) target_semaphore(%arg7 : memref<!tpu.dma_semaphore, #tpu.memory_space<semaphore_mem>>)
      %add3A_1294 = arith.constant 1024 : i32
      %add3A_1295 = arith.addi %add3A_1245, %add3A_1294 : i32
      %dma_start3A_1296 = arith.constant 0 : i32
      %dma_start3A_1297 = tpu.memref_slice %arg4[%add3A_1295, %dma_start3A_1296] : memref<819200x24xf32, #tpu.memory_space<hbm>> -> memref<128x24xf32, #tpu.memory_space<hbm>>
      %dma_start3A_1298 = arith.constant 0 : i32
      %dma_start3A_1299 = tpu.memref_slice %arg4[%add3A_1295, %dma_start3A_1298] : memref<819200x24xf32, #tpu.memory_space<hbm>> -> memref<128x24xf32, #tpu.memory_space<hbm>>
      tpu.enqueue_dma source(%arg16 : memref<128x24xf32, #tpu.memory_space<vmem>>) target(%dma_start3A_1299 : memref<128x24xf32, #tpu.memory_space<hbm>>) target_semaphore(%arg7 : memref<!tpu.dma_semaphore, #tpu.memory_space<semaphore_mem>>)
      %add3A_1300 = arith.constant 1152 : i32
      %add3A_1301 = arith.addi %add3A_1245, %add3A_1300 : i32
      %dma_start3A_1302 = arith.constant 0 : i32
      %dma_start3A_1303 = tpu.memref_slice %arg4[%add3A_1301, %dma_start3A_1302] : memref<819200x24xf32, #tpu.memory_space<hbm>> -> memref<128x24xf32, #tpu.memory_space<hbm>>
      %dma_start3A_1304 = arith.constant 0 : i32
      %dma_start3A_1305 = tpu.memref_slice %arg4[%add3A_1301, %dma_start3A_1304] : memref<819200x24xf32, #tpu.memory_space<hbm>> -> memref<128x24xf32, #tpu.memory_space<hbm>>
      tpu.enqueue_dma source(%arg17 : memref<128x24xf32, #tpu.memory_space<vmem>>) target(%dma_start3A_1305 : memref<128x24xf32, #tpu.memory_space<hbm>>) target_semaphore(%arg7 : memref<!tpu.dma_semaphore, #tpu.memory_space<semaphore_mem>>)
      %add3A_1306 = arith.constant 1280 : i32
      %add3A_1307 = arith.addi %add3A_1245, %add3A_1306 : i32
      %dma_start3A_1308 = arith.constant 0 : i32
      %dma_start3A_1309 = tpu.memref_slice %arg4[%add3A_1307, %dma_start3A_1308] : memref<819200x24xf32, #tpu.memory_space<hbm>> -> memref<128x24xf32, #tpu.memory_space<hbm>>
      %dma_start3A_1310 = arith.constant 0 : i32
      %dma_start3A_1311 = tpu.memref_slice %arg4[%add3A_1307, %dma_start3A_1310] : memref<819200x24xf32, #tpu.memory_space<hbm>> -> memref<128x24xf32, #tpu.memory_space<hbm>>
      tpu.enqueue_dma source(%arg18 : memref<128x24xf32, #tpu.memory_space<vmem>>) target(%dma_start3A_1311 : memref<128x24xf32, #tpu.memory_space<hbm>>) target_semaphore(%arg7 : memref<!tpu.dma_semaphore, #tpu.memory_space<semaphore_mem>>)
      %add3A_1312 = arith.constant 1408 : i32
      %add3A_1313 = arith.addi %add3A_1245, %add3A_1312 : i32
      %dma_start3A_1314 = arith.constant 0 : i32
      %dma_start3A_1315 = tpu.memref_slice %arg4[%add3A_1313, %dma_start3A_1314] : memref<819200x24xf32, #tpu.memory_space<hbm>> -> memref<128x24xf32, #tpu.memory_space<hbm>>
      %dma_start3A_1316 = arith.constant 0 : i32
      %dma_start3A_1317 = tpu.memref_slice %arg4[%add3A_1313, %dma_start3A_1316] : memref<819200x24xf32, #tpu.memory_space<hbm>> -> memref<128x24xf32, #tpu.memory_space<hbm>>
      tpu.enqueue_dma source(%arg19 : memref<128x24xf32, #tpu.memory_space<vmem>>) target(%dma_start3A_1317 : memref<128x24xf32, #tpu.memory_space<hbm>>) target_semaphore(%arg7 : memref<!tpu.dma_semaphore, #tpu.memory_space<semaphore_mem>>)
      %add3A_1318 = arith.constant 1536 : i32
      %add3A_1319 = arith.addi %add3A_1245, %add3A_1318 : i32
      %dma_start3A_1320 = arith.constant 0 : i32
      %dma_start3A_1321 = tpu.memref_slice %arg4[%add3A_1319, %dma_start3A_1320] : memref<819200x24xf32, #tpu.memory_space<hbm>> -> memref<128x24xf32, #tpu.memory_space<hbm>>
      %dma_start3A_1322 = arith.constant 0 : i32
      %dma_start3A_1323 = tpu.memref_slice %arg4[%add3A_1319, %dma_start3A_1322] : memref<819200x24xf32, #tpu.memory_space<hbm>> -> memref<128x24xf32, #tpu.memory_space<hbm>>
      tpu.enqueue_dma source(%arg20 : memref<128x24xf32, #tpu.memory_space<vmem>>) target(%dma_start3A_1323 : memref<128x24xf32, #tpu.memory_space<hbm>>) target_semaphore(%arg7 : memref<!tpu.dma_semaphore, #tpu.memory_space<semaphore_mem>>)
      %add3A_1324 = arith.constant 1664 : i32
      %add3A_1325 = arith.addi %add3A_1245, %add3A_1324 : i32
      %dma_start3A_1326 = arith.constant 0 : i32
      %dma_start3A_1327 = tpu.memref_slice %arg4[%add3A_1325, %dma_start3A_1326] : memref<819200x24xf32, #tpu.memory_space<hbm>> -> memref<128x24xf32, #tpu.memory_space<hbm>>
      %dma_start3A_1328 = arith.constant 0 : i32
      %dma_start3A_1329 = tpu.memref_slice %arg4[%add3A_1325, %dma_start3A_1328] : memref<819200x24xf32, #tpu.memory_space<hbm>> -> memref<128x24xf32, #tpu.memory_space<hbm>>
      tpu.enqueue_dma source(%arg21 : memref<128x24xf32, #tpu.memory_space<vmem>>) target(%dma_start3A_1329 : memref<128x24xf32, #tpu.memory_space<hbm>>) target_semaphore(%arg7 : memref<!tpu.dma_semaphore, #tpu.memory_space<semaphore_mem>>)
      %add3A_1330 = arith.constant 1792 : i32
      %add3A_1331 = arith.addi %add3A_1245, %add3A_1330 : i32
      %dma_start3A_1332 = arith.constant 0 : i32
      %dma_start3A_1333 = tpu.memref_slice %arg4[%add3A_1331, %dma_start3A_1332] : memref<819200x24xf32, #tpu.memory_space<hbm>> -> memref<128x24xf32, #tpu.memory_space<hbm>>
      %dma_start3A_1334 = arith.constant 0 : i32
      %dma_start3A_1335 = tpu.memref_slice %arg4[%add3A_1331, %dma_start3A_1334] : memref<819200x24xf32, #tpu.memory_space<hbm>> -> memref<128x24xf32, #tpu.memory_space<hbm>>
      tpu.enqueue_dma source(%arg22 : memref<128x24xf32, #tpu.memory_space<vmem>>) target(%dma_start3A_1335 : memref<128x24xf32, #tpu.memory_space<hbm>>) target_semaphore(%arg7 : memref<!tpu.dma_semaphore, #tpu.memory_space<semaphore_mem>>)
      %add3A_1336 = arith.constant 1920 : i32
      %add3A_1337 = arith.addi %add3A_1245, %add3A_1336 : i32
      %dma_start3A_1338 = arith.constant 0 : i32
      %dma_start3A_1339 = tpu.memref_slice %arg4[%add3A_1337, %dma_start3A_1338] : memref<819200x24xf32, #tpu.memory_space<hbm>> -> memref<128x24xf32, #tpu.memory_space<hbm>>
      %dma_start3A_1340 = arith.constant 0 : i32
      %dma_start3A_1341 = tpu.memref_slice %arg4[%add3A_1337, %dma_start3A_1340] : memref<819200x24xf32, #tpu.memory_space<hbm>> -> memref<128x24xf32, #tpu.memory_space<hbm>>
      tpu.enqueue_dma source(%arg23 : memref<128x24xf32, #tpu.memory_space<vmem>>) target(%dma_start3A_1341 : memref<128x24xf32, #tpu.memory_space<hbm>>) target_semaphore(%arg7 : memref<!tpu.dma_semaphore, #tpu.memory_space<semaphore_mem>>)
      %add3A_1342 = arith.constant 2048 : i32
      %add3A_1343 = arith.addi %add3A_1245, %add3A_1342 : i32
      %dma_start3A_1344 = arith.constant 0 : i32
      %dma_start3A_1345 = tpu.memref_slice %arg4[%add3A_1343, %dma_start3A_1344] : memref<819200x24xf32, #tpu.memory_space<hbm>> -> memref<128x24xf32, #tpu.memory_space<hbm>>
      %dma_start3A_1346 = arith.constant 0 : i32
      %dma_start3A_1347 = tpu.memref_slice %arg4[%add3A_1343, %dma_start3A_1346] : memref<819200x24xf32, #tpu.memory_space<hbm>> -> memref<128x24xf32, #tpu.memory_space<hbm>>
      tpu.enqueue_dma source(%arg24 : memref<128x24xf32, #tpu.memory_space<vmem>>) target(%dma_start3A_1347 : memref<128x24xf32, #tpu.memory_space<hbm>>) target_semaphore(%arg7 : memref<!tpu.dma_semaphore, #tpu.memory_space<semaphore_mem>>)
      %add3A_1348 = arith.constant 2176 : i32
      %add3A_1349 = arith.addi %add3A_1245, %add3A_1348 : i32
      %dma_start3A_1350 = arith.constant 0 : i32
      %dma_start3A_1351 = tpu.memref_slice %arg4[%add3A_1349, %dma_start3A_1350] : memref<819200x24xf32, #tpu.memory_space<hbm>> -> memref<128x24xf32, #tpu.memory_space<hbm>>
      %dma_start3A_1352 = arith.constant 0 : i32
      %dma_start3A_1353 = tpu.memref_slice %arg4[%add3A_1349, %dma_start3A_1352] : memref<819200x24xf32, #tpu.memory_space<hbm>> -> memref<128x24xf32, #tpu.memory_space<hbm>>
      tpu.enqueue_dma source(%arg25 : memref<128x24xf32, #tpu.memory_space<vmem>>) target(%dma_start3A_1353 : memref<128x24xf32, #tpu.memory_space<hbm>>) target_semaphore(%arg7 : memref<!tpu.dma_semaphore, #tpu.memory_space<semaphore_mem>>)
      %add3A_1354 = arith.constant 2304 : i32
      %add3A_1355 = arith.addi %add3A_1245, %add3A_1354 : i32
      %dma_start3A_1356 = arith.constant 0 : i32
      %dma_start3A_1357 = tpu.memref_slice %arg4[%add3A_1355, %dma_start3A_1356] : memref<819200x24xf32, #tpu.memory_space<hbm>> -> memref<128x24xf32, #tpu.memory_space<hbm>>
      %dma_start3A_1358 = arith.constant 0 : i32
      %dma_start3A_1359 = tpu.memref_slice %arg4[%add3A_1355, %dma_start3A_1358] : memref<819200x24xf32, #tpu.memory_space<hbm>> -> memref<128x24xf32, #tpu.memory_space<hbm>>
      tpu.enqueue_dma source(%arg26 : memref<128x24xf32, #tpu.memory_space<vmem>>) target(%dma_start3A_1359 : memref<128x24xf32, #tpu.memory_space<hbm>>) target_semaphore(%arg7 : memref<!tpu.dma_semaphore, #tpu.memory_space<semaphore_mem>>)
      %add3A_1360 = arith.constant 2432 : i32
      %add3A_1361 = arith.addi %add3A_1245, %add3A_1360 : i32
      %dma_start3A_1362 = arith.constant 0 : i32
      %dma_start3A_1363 = tpu.memref_slice %arg4[%add3A_1361, %dma_start3A_1362] : memref<819200x24xf32, #tpu.memory_space<hbm>> -> memref<128x24xf32, #tpu.memory_space<hbm>>
      %dma_start3A_1364 = arith.constant 0 : i32
      %dma_start3A_1365 = tpu.memref_slice %arg4[%add3A_1361, %dma_start3A_1364] : memref<819200x24xf32, #tpu.memory_space<hbm>> -> memref<128x24xf32, #tpu.memory_space<hbm>>
      tpu.enqueue_dma source(%arg27 : memref<128x24xf32, #tpu.memory_space<vmem>>) target(%dma_start3A_1365 : memref<128x24xf32, #tpu.memory_space<hbm>>) target_semaphore(%arg7 : memref<!tpu.dma_semaphore, #tpu.memory_space<semaphore_mem>>)
    }
    %scan3A_7 = arith.constant 10 : i32
    %dma_wait3A = arith.constant 0 : i32
    %dma_wait3A_8 = arith.constant 0 : i32
    %dma_wait3A_9 = tpu.memref_slice %arg4[%dma_wait3A, %dma_wait3A_8] : memref<819200x24xf32, #tpu.memory_space<hbm>> -> memref<128x24xf32, #tpu.memory_space<hbm>>
    %dma_wait3A_10 = arith.constant 0 : i32
    %dma_wait3A_11 = arith.constant 0 : i32
    %dma_wait3A_12 = tpu.memref_slice %arg4[%dma_wait3A_10, %dma_wait3A_11] : memref<819200x24xf32, #tpu.memory_space<hbm>> -> memref<128x24xf32, #tpu.memory_space<hbm>>
    tpu.wait_dma2 semaphore(%arg7 : memref<!tpu.dma_semaphore, #tpu.memory_space<semaphore_mem>>) src(%arg8 : memref<128x24xf32, #tpu.memory_space<vmem>>) dst(%dma_wait3A_12 : memref<128x24xf32, #tpu.memory_space<hbm>>)
    %dma_wait3A_13 = arith.constant 0 : i32
    %dma_wait3A_14 = arith.constant 0 : i32
    %dma_wait3A_15 = tpu.memref_slice %arg4[%dma_wait3A_13, %dma_wait3A_14] : memref<819200x24xf32, #tpu.memory_space<hbm>> -> memref<128x24xf32, #tpu.memory_space<hbm>>
    %dma_wait3A_16 = arith.constant 0 : i32
    %dma_wait3A_17 = arith.constant 0 : i32
    %dma_wait3A_18 = tpu.memref_slice %arg4[%dma_wait3A_16, %dma_wait3A_17] : memref<819200x24xf32, #tpu.memory_space<hbm>> -> memref<128x24xf32, #tpu.memory_space<hbm>>
    tpu.wait_dma2 semaphore(%arg7 : memref<!tpu.dma_semaphore, #tpu.memory_space<semaphore_mem>>) src(%arg9 : memref<128x24xf32, #tpu.memory_space<vmem>>) dst(%dma_wait3A_18 : memref<128x24xf32, #tpu.memory_space<hbm>>)
    %dma_wait3A_19 = arith.constant 0 : i32
    %dma_wait3A_20 = arith.constant 0 : i32
    %dma_wait3A_21 = tpu.memref_slice %arg4[%dma_wait3A_19, %dma_wait3A_20] : memref<819200x24xf32, #tpu.memory_space<hbm>> -> memref<128x24xf32, #tpu.memory_space<hbm>>
    %dma_wait3A_22 = arith.constant 0 : i32
    %dma_wait3A_23 = arith.constant 0 : i32
    %dma_wait3A_24 = tpu.memref_slice %arg4[%dma_wait3A_22, %dma_wait3A_23] : memref<819200x24xf32, #tpu.memory_space<hbm>> -> memref<128x24xf32, #tpu.memory_space<hbm>>
    tpu.wait_dma2 semaphore(%arg7 : memref<!tpu.dma_semaphore, #tpu.memory_space<semaphore_mem>>) src(%arg10 : memref<128x24xf32, #tpu.memory_space<vmem>>) dst(%dma_wait3A_24 : memref<128x24xf32, #tpu.memory_space<hbm>>)
    %dma_wait3A_25 = arith.constant 0 : i32
    %dma_wait3A_26 = arith.constant 0 : i32
    %dma_wait3A_27 = tpu.memref_slice %arg4[%dma_wait3A_25, %dma_wait3A_26] : memref<819200x24xf32, #tpu.memory_space<hbm>> -> memref<128x24xf32, #tpu.memory_space<hbm>>
    %dma_wait3A_28 = arith.constant 0 : i32
    %dma_wait3A_29 = arith.constant 0 : i32
    %dma_wait3A_30 = tpu.memref_slice %arg4[%dma_wait3A_28, %dma_wait3A_29] : memref<819200x24xf32, #tpu.memory_space<hbm>> -> memref<128x24xf32, #tpu.memory_space<hbm>>
    tpu.wait_dma2 semaphore(%arg7 : memref<!tpu.dma_semaphore, #tpu.memory_space<semaphore_mem>>) src(%arg11 : memref<128x24xf32, #tpu.memory_space<vmem>>) dst(%dma_wait3A_30 : memref<128x24xf32, #tpu.memory_space<hbm>>)
    %dma_wait3A_31 = arith.constant 0 : i32
    %dma_wait3A_32 = arith.constant 0 : i32
    %dma_wait3A_33 = tpu.memref_slice %arg4[%dma_wait3A_31, %dma_wait3A_32] : memref<819200x24xf32, #tpu.memory_space<hbm>> -> memref<128x24xf32, #tpu.memory_space<hbm>>
    %dma_wait3A_34 = arith.constant 0 : i32
    %dma_wait3A_35 = arith.constant 0 : i32
    %dma_wait3A_36 = tpu.memref_slice %arg4[%dma_wait3A_34, %dma_wait3A_35] : memref<819200x24xf32, #tpu.memory_space<hbm>> -> memref<128x24xf32, #tpu.memory_space<hbm>>
    tpu.wait_dma2 semaphore(%arg7 : memref<!tpu.dma_semaphore, #tpu.memory_space<semaphore_mem>>) src(%arg12 : memref<128x24xf32, #tpu.memory_space<vmem>>) dst(%dma_wait3A_36 : memref<128x24xf32, #tpu.memory_space<hbm>>)
    %dma_wait3A_37 = arith.constant 0 : i32
    %dma_wait3A_38 = arith.constant 0 : i32
    %dma_wait3A_39 = tpu.memref_slice %arg4[%dma_wait3A_37, %dma_wait3A_38] : memref<819200x24xf32, #tpu.memory_space<hbm>> -> memref<128x24xf32, #tpu.memory_space<hbm>>
    %dma_wait3A_40 = arith.constant 0 : i32
    %dma_wait3A_41 = arith.constant 0 : i32
    %dma_wait3A_42 = tpu.memref_slice %arg4[%dma_wait3A_40, %dma_wait3A_41] : memref<819200x24xf32, #tpu.memory_space<hbm>> -> memref<128x24xf32, #tpu.memory_space<hbm>>
    tpu.wait_dma2 semaphore(%arg7 : memref<!tpu.dma_semaphore, #tpu.memory_space<semaphore_mem>>) src(%arg13 : memref<128x24xf32, #tpu.memory_space<vmem>>) dst(%dma_wait3A_42 : memref<128x24xf32, #tpu.memory_space<hbm>>)
    %dma_wait3A_43 = arith.constant 0 : i32
    %dma_wait3A_44 = arith.constant 0 : i32
    %dma_wait3A_45 = tpu.memref_slice %arg4[%dma_wait3A_43, %dma_wait3A_44] : memref<819200x24xf32, #tpu.memory_space<hbm>> -> memref<128x24xf32, #tpu.memory_space<hbm>>
    %dma_wait3A_46 = arith.constant 0 : i32
    %dma_wait3A_47 = arith.constant 0 : i32
    %dma_wait3A_48 = tpu.memref_slice %arg4[%dma_wait3A_46, %dma_wait3A_47] : memref<819200x24xf32, #tpu.memory_space<hbm>> -> memref<128x24xf32, #tpu.memory_space<hbm>>
    tpu.wait_dma2 semaphore(%arg7 : memref<!tpu.dma_semaphore, #tpu.memory_space<semaphore_mem>>) src(%arg14 : memref<128x24xf32, #tpu.memory_space<vmem>>) dst(%dma_wait3A_48 : memref<128x24xf32, #tpu.memory_space<hbm>>)
    %dma_wait3A_49 = arith.constant 0 : i32
    %dma_wait3A_50 = arith.constant 0 : i32
    %dma_wait3A_51 = tpu.memref_slice %arg4[%dma_wait3A_49, %dma_wait3A_50] : memref<819200x24xf32, #tpu.memory_space<hbm>> -> memref<128x24xf32, #tpu.memory_space<hbm>>
    %dma_wait3A_52 = arith.constant 0 : i32
    %dma_wait3A_53 = arith.constant 0 : i32
    %dma_wait3A_54 = tpu.memref_slice %arg4[%dma_wait3A_52, %dma_wait3A_53] : memref<819200x24xf32, #tpu.memory_space<hbm>> -> memref<128x24xf32, #tpu.memory_space<hbm>>
    tpu.wait_dma2 semaphore(%arg7 : memref<!tpu.dma_semaphore, #tpu.memory_space<semaphore_mem>>) src(%arg15 : memref<128x24xf32, #tpu.memory_space<vmem>>) dst(%dma_wait3A_54 : memref<128x24xf32, #tpu.memory_space<hbm>>)
    %dma_wait3A_55 = arith.constant 0 : i32
    %dma_wait3A_56 = arith.constant 0 : i32
    %dma_wait3A_57 = tpu.memref_slice %arg4[%dma_wait3A_55, %dma_wait3A_56] : memref<819200x24xf32, #tpu.memory_space<hbm>> -> memref<128x24xf32, #tpu.memory_space<hbm>>
    %dma_wait3A_58 = arith.constant 0 : i32
    %dma_wait3A_59 = arith.constant 0 : i32
    %dma_wait3A_60 = tpu.memref_slice %arg4[%dma_wait3A_58, %dma_wait3A_59] : memref<819200x24xf32, #tpu.memory_space<hbm>> -> memref<128x24xf32, #tpu.memory_space<hbm>>
    tpu.wait_dma2 semaphore(%arg7 : memref<!tpu.dma_semaphore, #tpu.memory_space<semaphore_mem>>) src(%arg16 : memref<128x24xf32, #tpu.memory_space<vmem>>) dst(%dma_wait3A_60 : memref<128x24xf32, #tpu.memory_space<hbm>>)
    %dma_wait3A_61 = arith.constant 0 : i32
    %dma_wait3A_62 = arith.constant 0 : i32
    %dma_wait3A_63 = tpu.memref_slice %arg4[%dma_wait3A_61, %dma_wait3A_62] : memref<819200x24xf32, #tpu.memory_space<hbm>> -> memref<128x24xf32, #tpu.memory_space<hbm>>
    %dma_wait3A_64 = arith.constant 0 : i32
    %dma_wait3A_65 = arith.constant 0 : i32
    %dma_wait3A_66 = tpu.memref_slice %arg4[%dma_wait3A_64, %dma_wait3A_65] : memref<819200x24xf32, #tpu.memory_space<hbm>> -> memref<128x24xf32, #tpu.memory_space<hbm>>
    tpu.wait_dma2 semaphore(%arg7 : memref<!tpu.dma_semaphore, #tpu.memory_space<semaphore_mem>>) src(%arg17 : memref<128x24xf32, #tpu.memory_space<vmem>>) dst(%dma_wait3A_66 : memref<128x24xf32, #tpu.memory_space<hbm>>)
    %dma_wait3A_67 = arith.constant 0 : i32
    %dma_wait3A_68 = arith.constant 0 : i32
    %dma_wait3A_69 = tpu.memref_slice %arg4[%dma_wait3A_67, %dma_wait3A_68] : memref<819200x24xf32, #tpu.memory_space<hbm>> -> memref<128x24xf32, #tpu.memory_space<hbm>>
    %dma_wait3A_70 = arith.constant 0 : i32
    %dma_wait3A_71 = arith.constant 0 : i32
    %dma_wait3A_72 = tpu.memref_slice %arg4[%dma_wait3A_70, %dma_wait3A_71] : memref<819200x24xf32, #tpu.memory_space<hbm>> -> memref<128x24xf32, #tpu.memory_space<hbm>>
    tpu.wait_dma2 semaphore(%arg7 : memref<!tpu.dma_semaphore, #tpu.memory_space<semaphore_mem>>) src(%arg18 : memref<128x24xf32, #tpu.memory_space<vmem>>) dst(%dma_wait3A_72 : memref<128x24xf32, #tpu.memory_space<hbm>>)
    %dma_wait3A_73 = arith.constant 0 : i32
    %dma_wait3A_74 = arith.constant 0 : i32
    %dma_wait3A_75 = tpu.memref_slice %arg4[%dma_wait3A_73, %dma_wait3A_74] : memref<819200x24xf32, #tpu.memory_space<hbm>> -> memref<128x24xf32, #tpu.memory_space<hbm>>
    %dma_wait3A_76 = arith.constant 0 : i32
    %dma_wait3A_77 = arith.constant 0 : i32
    %dma_wait3A_78 = tpu.memref_slice %arg4[%dma_wait3A_76, %dma_wait3A_77] : memref<819200x24xf32, #tpu.memory_space<hbm>> -> memref<128x24xf32, #tpu.memory_space<hbm>>
    tpu.wait_dma2 semaphore(%arg7 : memref<!tpu.dma_semaphore, #tpu.memory_space<semaphore_mem>>) src(%arg19 : memref<128x24xf32, #tpu.memory_space<vmem>>) dst(%dma_wait3A_78 : memref<128x24xf32, #tpu.memory_space<hbm>>)
    %dma_wait3A_79 = arith.constant 0 : i32
    %dma_wait3A_80 = arith.constant 0 : i32
    %dma_wait3A_81 = tpu.memref_slice %arg4[%dma_wait3A_79, %dma_wait3A_80] : memref<819200x24xf32, #tpu.memory_space<hbm>> -> memref<128x24xf32, #tpu.memory_space<hbm>>
    %dma_wait3A_82 = arith.constant 0 : i32
    %dma_wait3A_83 = arith.constant 0 : i32
    %dma_wait3A_84 = tpu.memref_slice %arg4[%dma_wait3A_82, %dma_wait3A_83] : memref<819200x24xf32, #tpu.memory_space<hbm>> -> memref<128x24xf32, #tpu.memory_space<hbm>>
    tpu.wait_dma2 semaphore(%arg7 : memref<!tpu.dma_semaphore, #tpu.memory_space<semaphore_mem>>) src(%arg20 : memref<128x24xf32, #tpu.memory_space<vmem>>) dst(%dma_wait3A_84 : memref<128x24xf32, #tpu.memory_space<hbm>>)
    %dma_wait3A_85 = arith.constant 0 : i32
    %dma_wait3A_86 = arith.constant 0 : i32
    %dma_wait3A_87 = tpu.memref_slice %arg4[%dma_wait3A_85, %dma_wait3A_86] : memref<819200x24xf32, #tpu.memory_space<hbm>> -> memref<128x24xf32, #tpu.memory_space<hbm>>
    %dma_wait3A_88 = arith.constant 0 : i32
    %dma_wait3A_89 = arith.constant 0 : i32
    %dma_wait3A_90 = tpu.memref_slice %arg4[%dma_wait3A_88, %dma_wait3A_89] : memref<819200x24xf32, #tpu.memory_space<hbm>> -> memref<128x24xf32, #tpu.memory_space<hbm>>
    tpu.wait_dma2 semaphore(%arg7 : memref<!tpu.dma_semaphore, #tpu.memory_space<semaphore_mem>>) src(%arg21 : memref<128x24xf32, #tpu.memory_space<vmem>>) dst(%dma_wait3A_90 : memref<128x24xf32, #tpu.memory_space<hbm>>)
    %dma_wait3A_91 = arith.constant 0 : i32
    %dma_wait3A_92 = arith.constant 0 : i32
    %dma_wait3A_93 = tpu.memref_slice %arg4[%dma_wait3A_91, %dma_wait3A_92] : memref<819200x24xf32, #tpu.memory_space<hbm>> -> memref<128x24xf32, #tpu.memory_space<hbm>>
    %dma_wait3A_94 = arith.constant 0 : i32
    %dma_wait3A_95 = arith.constant 0 : i32
    %dma_wait3A_96 = tpu.memref_slice %arg4[%dma_wait3A_94, %dma_wait3A_95] : memref<819200x24xf32, #tpu.memory_space<hbm>> -> memref<128x24xf32, #tpu.memory_space<hbm>>
    tpu.wait_dma2 semaphore(%arg7 : memref<!tpu.dma_semaphore, #tpu.memory_space<semaphore_mem>>) src(%arg22 : memref<128x24xf32, #tpu.memory_space<vmem>>) dst(%dma_wait3A_96 : memref<128x24xf32, #tpu.memory_space<hbm>>)
    %dma_wait3A_97 = arith.constant 0 : i32
    %dma_wait3A_98 = arith.constant 0 : i32
    %dma_wait3A_99 = tpu.memref_slice %arg4[%dma_wait3A_97, %dma_wait3A_98] : memref<819200x24xf32, #tpu.memory_space<hbm>> -> memref<128x24xf32, #tpu.memory_space<hbm>>
    %dma_wait3A_100 = arith.constant 0 : i32
    %dma_wait3A_101 = arith.constant 0 : i32
    %dma_wait3A_102 = tpu.memref_slice %arg4[%dma_wait3A_100, %dma_wait3A_101] : memref<819200x24xf32, #tpu.memory_space<hbm>> -> memref<128x24xf32, #tpu.memory_space<hbm>>
    tpu.wait_dma2 semaphore(%arg7 : memref<!tpu.dma_semaphore, #tpu.memory_space<semaphore_mem>>) src(%arg23 : memref<128x24xf32, #tpu.memory_space<vmem>>) dst(%dma_wait3A_102 : memref<128x24xf32, #tpu.memory_space<hbm>>)
    %dma_wait3A_103 = arith.constant 0 : i32
    %dma_wait3A_104 = arith.constant 0 : i32
    %dma_wait3A_105 = tpu.memref_slice %arg4[%dma_wait3A_103, %dma_wait3A_104] : memref<819200x24xf32, #tpu.memory_space<hbm>> -> memref<128x24xf32, #tpu.memory_space<hbm>>
    %dma_wait3A_106 = arith.constant 0 : i32
    %dma_wait3A_107 = arith.constant 0 : i32
    %dma_wait3A_108 = tpu.memref_slice %arg4[%dma_wait3A_106, %dma_wait3A_107] : memref<819200x24xf32, #tpu.memory_space<hbm>> -> memref<128x24xf32, #tpu.memory_space<hbm>>
    tpu.wait_dma2 semaphore(%arg7 : memref<!tpu.dma_semaphore, #tpu.memory_space<semaphore_mem>>) src(%arg24 : memref<128x24xf32, #tpu.memory_space<vmem>>) dst(%dma_wait3A_108 : memref<128x24xf32, #tpu.memory_space<hbm>>)
    %dma_wait3A_109 = arith.constant 0 : i32
    %dma_wait3A_110 = arith.constant 0 : i32
    %dma_wait3A_111 = tpu.memref_slice %arg4[%dma_wait3A_109, %dma_wait3A_110] : memref<819200x24xf32, #tpu.memory_space<hbm>> -> memref<128x24xf32, #tpu.memory_space<hbm>>
    %dma_wait3A_112 = arith.constant 0 : i32
    %dma_wait3A_113 = arith.constant 0 : i32
    %dma_wait3A_114 = tpu.memref_slice %arg4[%dma_wait3A_112, %dma_wait3A_113] : memref<819200x24xf32, #tpu.memory_space<hbm>> -> memref<128x24xf32, #tpu.memory_space<hbm>>
    tpu.wait_dma2 semaphore(%arg7 : memref<!tpu.dma_semaphore, #tpu.memory_space<semaphore_mem>>) src(%arg25 : memref<128x24xf32, #tpu.memory_space<vmem>>) dst(%dma_wait3A_114 : memref<128x24xf32, #tpu.memory_space<hbm>>)
    %dma_wait3A_115 = arith.constant 0 : i32
    %dma_wait3A_116 = arith.constant 0 : i32
    %dma_wait3A_117 = tpu.memref_slice %arg4[%dma_wait3A_115, %dma_wait3A_116] : memref<819200x24xf32, #tpu.memory_space<hbm>> -> memref<128x24xf32, #tpu.memory_space<hbm>>
    %dma_wait3A_118 = arith.constant 0 : i32
    %dma_wait3A_119 = arith.constant 0 : i32
    %dma_wait3A_120 = tpu.memref_slice %arg4[%dma_wait3A_118, %dma_wait3A_119] : memref<819200x24xf32, #tpu.memory_space<hbm>> -> memref<128x24xf32, #tpu.memory_space<hbm>>
    tpu.wait_dma2 semaphore(%arg7 : memref<!tpu.dma_semaphore, #tpu.memory_space<semaphore_mem>>) src(%arg26 : memref<128x24xf32, #tpu.memory_space<vmem>>) dst(%dma_wait3A_120 : memref<128x24xf32, #tpu.memory_space<hbm>>)
    %dma_wait3A_121 = arith.constant 0 : i32
    %dma_wait3A_122 = arith.constant 0 : i32
    %dma_wait3A_123 = tpu.memref_slice %arg4[%dma_wait3A_121, %dma_wait3A_122] : memref<819200x24xf32, #tpu.memory_space<hbm>> -> memref<128x24xf32, #tpu.memory_space<hbm>>
    %dma_wait3A_124 = arith.constant 0 : i32
    %dma_wait3A_125 = arith.constant 0 : i32
    %dma_wait3A_126 = tpu.memref_slice %arg4[%dma_wait3A_124, %dma_wait3A_125] : memref<819200x24xf32, #tpu.memory_space<hbm>> -> memref<128x24xf32, #tpu.memory_space<hbm>>
    tpu.wait_dma2 semaphore(%arg7 : memref<!tpu.dma_semaphore, #tpu.memory_space<semaphore_mem>>) src(%arg27 : memref<128x24xf32, #tpu.memory_space<vmem>>) dst(%dma_wait3A_126 : memref<128x24xf32, #tpu.memory_space<hbm>>)
    return
  }
}

</mosaic_0001>

<sc_bundles>
// kernel: kernel.3.cloned.1.call-start
scs
__scs_entry_jumppad:
0x0: {  	(pc) =	sbr.rel $0x88, $3  }
0x1: {  	(tag) =	ssettag $0x0;
	lr =	simm.s32 $0x1  }
0x2: {  	[smem:$0x3F9F] =	sst lr;
	_ =	strace $0xD0000000  }
0x3: {  	_ = 	snop  }
0x4: {  	_ = 	snop  }
0x5: {  	_ = 	snop  }
0x6: {  	_ = 	snop  }
0x7: {  	_ = 	snop  }
__scs_overlays_trampoline_lowered:
0x8: {  	[smem:$0x3FAE] =	sst s0  }
0x9: {  	[smem:$0x3FAF] =	sst s1  }
0xa: {  	[smem:$0x3FB0] =	sst s2  }
0xb: {  	[smem:$0x3FB1] =	sst s3  }
0xc: {  	[smem:$0x3FB2] =	sst s4  }
0xd: {  	[smem:$0x3FB3] =	sst s5  }
0xe: {  	[smem:$0x3FB4] =	sst s6  }
0xf: {  	[smem:$0x3FB5] =	sst s7  }
0x10: {  	[smem:$0x3FB6] =	sst s8  }
0x11: {  	[smem:$0x3FB7] =	sst s9;
	s0 =	simm.s32 @!p0 $0x0  }
0x12: {  	s1 =	sld [smem:$0x3F9D];
	s0 =	simm.s32 @p0 $0x1  }
0x13: {  	[smem:$0x3FB8] =	sst s0;
	s0 =	simm.s32 @!p1 $0x0  }
0x14: {  	s2 =	sld [smem:$0x3F9C];
	s0 =	simm.s32 @p1 $0x1  }
0x15: {  	[smem:$0x3FB9] =	sst s0;
	s0 =	simm.s32 @!p2 $0x0  }
0x16: {  	s3 =	sld [smem:$0x3FDB];
	s0 =	simm.s32 @p2 $0x1  }
0x17: {  	s4 =	simm.s32 $0x1BF5;
	[smem:$0x3FBB] =	sst s0  }
0x18: {  	s0 =	sld [smem:$0x3F9E];
	_ =	swait.ge [sflag:s4], $0x0  }
0x19: {  	s7 =	sld [smem:$0x3F9F]  }
0x1a: {  	s8 =	sadd.s32 $0xFFFFE003, lr  }
0x1b: {  	s9 =	sadd.s32 $0xFFFFFEF7, lr;
	s5 =	simm.s32 $0xFFFFFFFF;
	p2 =	slt.u32 s8, $0xFFFFF086  }
0x1c: {  	p1 =	slt.u32 s9, $0xF7A;
	s5 =	simm.s32 @!p2 $0x0  }
0x1d: {  	s5 =	simm.s32 @p1 $0x1;
	p0 =	seq.s32 s7, s2  }
0x1e: {  	s7 =	smul.u32 @!p0 $0xF7A, s2;
	p2 =	seq.s32 @!p0 s5, $0x0  }
0x1f: {  	s9 =	smul.u32 $0xF7A, s1;
	s8 =	simm.s32 @!p0 $0x1BF5;
	p2 =	por !p2, p0  }
0x20: {  	[sflag:s8] =	ssyncset.s32 @!p0 $0xFFFFF086;
	s6 =	sadd.s32 @!p0 s3, s7;
	s7 =	simm.s32 @!p0 $0x108  }
0x21: {  	s3 =	sadd.s32 s3, s9;
	s6 =	sadd.s32 @!p0 $0x88, s6;
	s7 =	simm.s32 @p2 $0x1082  }
0x22: {  	[simem:s7], [sflag:s8] =	dma.local @!p0 [hbm:s6], $0xF7A  }
0x23: {  	s9 =	sor.u32 $0xD0000000, s2;
	s6 =	simm.s32 $0x108;
	_ =	swait.ge @!p0 [sflag:s8], $0x0  }
0x24: {  	s3 =	sadd.s32 $0x88, s3;
	s6 =	simm.s32 @!p1 $0x1082;
	[sflag:s4] =	ssyncset.s32 $0xFFFFF086  }
0x25: {  	[simem:s6], [sflag:s4] =	dma.local [hbm:s3], $0xF7A  }
0x26: {  	[smem:$0x3F9F] =	sst s1;
	(tag) =	ssettag s2;
	_ =	strace s9  }
0x27: {  	s1 =	sld [smem:$0x3FAF]  }
0x28: {  	s2 =	sld [smem:$0x3FB0]  }
0x29: {  	s4 =	sld [smem:$0x3FB2]  }
0x2a: {  	p0 =	seq.s32 s5, $0x0;
	s5 =	sld [smem:$0x3FB3]  }
0x2b: {  	s6 =	sld [smem:$0x3FB4]  }
0x2c: {  	s7 =	sld [smem:$0x3FB5]  }
0x2d: {  	s3 =	simm.s32 $0x108;
	s8 =	sld [smem:$0x3FB6]  }
0x2e: {  	s3 =	simm.s32 @!p0 $0x1082;
	s9 =	sld [smem:$0x3FB7]  }
0x2f: {  	lr =	sadd.s32 s0, s3;
	s0 =	sld [smem:$0x3FAE]  }
0x30: {  	s3 =	sld [smem:$0x3FB1]  }
0x31: {  	[smem:$0x3FBA] =	sst s10  }
0x32: {  	s10 =	sld [smem:$0x3FB8];
	_ =	sdelay $0x3  }
0x33: {  	p0 =	seq.s32 s10, $0x1;
	s10 =	sld [smem:$0x3FBA];
	_ =	sdelay $0x3  }
0x34: {  	[smem:$0x3FBA] =	sst s10  }
0x35: {  	s10 =	sld [smem:$0x3FB9];
	_ =	sdelay $0x3  }
0x36: {  	p1 =	seq.s32 s10, $0x1;
	s10 =	sld [smem:$0x3FBA];
	_ =	sdelay $0x3  }
0x37: {  	[smem:$0x3FBA] =	sst s10  }
0x38: {  	s10 =	sld [smem:$0x3FBB]  }
0x39: {  	_ = 	snop;
	(pc) =	sbr.ind lr, $3  }
0x3a: {  	_ = 	snop  }
0x3b: {  	_ = 	snop  }
0x3c: {  	p2 =	seq.s32 s10, $0x1;
	s10 =	sld [smem:$0x3FBA]  }
0x3d: {  	_ =	shalt  }
0x3e: {  	_ =	shalt  }
0x3f: {  	_ =	shalt  }
0x40: {  	_ =	shalt  }
0x41: {  	_ =	shalt  }
0x42: {  	_ =	shalt  }
0x43: {  	_ =	shalt  }
0x44: {  	_ =	shalt  }
0x45: {  	_ =	shalt  }
0x46: {  	_ =	shalt  }
0x47: {  	_ =	shalt  }
0x48: {  	_ =	shalt  }
0x49: {  	_ =	shalt  }
0x4a: {  	_ =	shalt  }
0x4b: {  	_ =	shalt  }
0x4c: {  	_ =	shalt  }
0x4d: {  	_ =	shalt  }
0x4e: {  	_ =	shalt  }
0x4f: {  	_ =	shalt  }
0x50: {  	_ =	shalt  }
0x51: {  	_ =	shalt  }
0x52: {  	_ =	shalt  }
0x53: {  	_ =	shalt  }
0x54: {  	_ =	shalt  }
0x55: {  	_ =	shalt  }
0x56: {  	_ =	shalt  }
0x57: {  	_ =	shalt  }
0x58: {  	_ =	shalt  }
0x59: {  	_ =	shalt  }
0x5a: {  	_ =	shalt  }
0x5b: {  	_ =	shalt  }
0x5c: {  	_ =	shalt  }
0x5d: {  	_ =	shalt  }
0x5e: {  	_ =	shalt  }
0x5f: {  	_ =	shalt  }
0x60: {  	_ =	shalt  }
0x61: {  	_ =	shalt  }
0x62: {  	_ =	shalt  }
0x63: {  	_ =	shalt  }
0x64: {  	_ =	shalt  }
0x65: {  	_ =	shalt  }
0x66: {  	_ =	shalt  }
0x67: {  	_ =	shalt  }
0x68: {  	_ =	shalt  }
0x69: {  	_ =	shalt  }
0x6a: {  	_ =	shalt  }
0x6b: {  	_ =	shalt  }
0x6c: {  	_ =	shalt  }
0x6d: {  	_ =	shalt  }
0x6e: {  	_ =	shalt  }
0x6f: {  	_ =	shalt  }
0x70: {  	_ =	shalt  }
0x71: {  	_ =	shalt  }
0x72: {  	_ =	shalt  }
0x73: {  	_ =	shalt  }
0x74: {  	_ =	shalt  }
0x75: {  	_ =	shalt  }
0x76: {  	_ =	shalt  }
0x77: {  	_ =	shalt  }
0x78: {  	_ =	shalt  }
0x79: {  	_ =	shalt  }
0x7a: {  	_ =	shalt  }
0x7b: {  	_ =	shalt  }
0x7c: {  	_ =	shalt  }
0x7d: {  	_ =	shalt  }
0x7e: {  	_ =	shalt  }
0x7f: {  	_ =	shalt  }
0x80: {  	_ =	shalt  }
0x81: {  	_ =	shalt  }
0x82: {  	_ =	shalt  }
0x83: {  	_ =	shalt  }
0x84: {  	_ =	shalt  }
0x85: {  	_ =	shalt  }
0x86: {  	_ =	shalt  }
0x87: {  	_ =	shalt  }
.Lfunc_end0:
.L_simem_size_0:
called_computation.1_lowered:
.L_overlay_start_0:
0x88: {  	s2 =	sld [smem:$0x3FD9]  }
0x89: {  	s3 =	sld [smem:$0x3FFE];
	_ =	sdelay $0x1  }
0x8a: {  	s1 =	srdreg.scid  }
0x8b: {  	s0 =	sand.u32 $0x1, s1  }
0x8c: {  	s17 =	sshll.u32 s0, $0xA;
	s2 =	sadd.s32 s3, s2  }
0x8d: {  	s2 =	sadd.s32 s2, s17  }
0x8e: {  	[smem:$0x3FC6] =	sst s2  }
0x8f: {  	_ = 	snop  }
0x90: {  	s2 =	sld [smem:$0x3FD0];
	(tm) =	ssettm $0x1  }
0x91: {  	s18 =	sld [smem:$0x3FFB];
	_ =	sdelay $0x3  }
0x92: {  	_ =	strace s18  }
0x93: {  	s3 =	sld [smem:$0x3FFC];
	_ =	sdelay $0x3  }
0x94: {  	_ =	strace s3  }
0x95: {  	s3 =	sld [smem:$0x3FFD];
	_ =	sdelay $0x3  }
0x96: {  	_ =	strace s3  }
0x97: {  	_ =	strace $0x8FFFFFFF  }
0x98: {  	s19 =	sld [smem:$0x3FDB];
	_ =	sdelay $0x1  }
0x99: {  	s4 =	simm.s32 $_scs_section_size  }
0x9a: {  	s5 =	simm.s32 $_size__tile_overlayer_lowered;
	s6 =	simm.s32 $_tile_overlayer_lowered  }
0x9b: {  	s22 =	simm.s32 $0x1BFF;
	s21 =	sshll.u32 s6, $0x1;
	s3 =	sadd.s32 s4, s19  }
0x9c: {  	s7 =	simm.s32 $0x0;
	s20 =	sshll.u32 s5, $0x1;
	s5 =	sadd.s32 s21, s3  }
0x9d: {  	[timem:s7], [sflag:s22] =	dma.local [hbm:s5], s20  }
0x9e: {  	_ =	swait.ge [sflag:s22], s20  }
0x9f: {  	s4 =	ssub.s32 $0x0, s20;
	[sflag:s22] =	ssyncset.done $0x0  }
0xa0: {  	[sflag:s22] =	ssyncadd.s32 s4;
	_ =	sdelay $0x1  }
0xa1: {  	s23 =	simm.s32 $0x1B8B  }
0xa2: {  	_ =	swait.ge [sflag:s23], $0x1  }
0xa3: {  	[sflag:s23] =	ssyncset.done $0x0  }
0xa4: {  	s25 =	simm.s32 $0x1B8E;
	s24 =	sld [smem:$0x3FFE];
	[sflag:s23] =	ssyncadd.s32 $0xFFFFFFFF  }
0xa5: {  	s26 =	simm.s32 $execute0_lowered;
	[smem:$0x3FD2] =	sst s25  }
0xa6: {  	s5 =	sshll.u32 s26, $0x1;
	_ =	strace $0x80000046;
	[dreg:$0x1] =	wrdreg $0xFFFFFFFF  }
0xa7: {  	s28 =	simm.s32 $_size_execute0_lowered;
	s3 =	sadd.s32 s3, s5;
	[dreg:$0x0] =	wrdreg $0x0  }
0xa8: {  	s5 =	sshll.u32 s28, $0x1;
	[dreg:$0x2] =	wrdreg s3  }
0xa9: {  	[dreg:$0x3] =	wrdreg s5  }
0xaa: {  	[dreg:$0x4] =	wrdreg $0xC0  }
0xab: {  	_ =	task [dreg:s7], $0x5FFFF  }
0xac: {  	[dreg:$0x1] =	wrdreg $0xFFFFFFFF  }
0xad: {  	[dreg:$0x0] =	wrdreg $0x60  }
0xae: {  	[dreg:$0x2] =	wrdreg s2  }
0xaf: {  	[dreg:$0x3] =	wrdreg s24  }
0xb0: {  	[dreg:$0x4] =	wrdreg $0x9  }
0xb1: {  	_ =	task.clear_ibuf [dreg:s7], $0x5FFFF;
	_ =	strace $0x90000046  }
0xb2: {  	s29 =	simm.s32 $0x9;
	_ =	strace $0x80000048  }
0xb3: {  	_ =	swait.ge [sflag:s29], $0x1  }
0xb4: {  	[sflag:s29] =	ssyncadd.s32 $0xFFFFFFFF  }
0xb5: {  	_ =	strace $0x90000048  }
0xb6: {  	_ =	sfence  }
0xb7: {  	s30 =	sld [smem:$0x0];
	_ =	sdelay $0x2  }
0xb8: {  	s31 =	sshll.u32 s1, $0xD;
	s1 =	sshrl.u32 s1, $0x2  }
0xb9: {  	s3 =	sand.u32 $0x4000, s31;
	s1 =	sadd.s32 s1, s30  }
0xba: {  	s0 =	sor.u32 s3, s0;
	s1 =	sshll.u32 s1, $0x11  }
0xbb: {  	s0 =	sor.u32 s1, s0  }
0xbc: {  	s0 =	sadd.s32 $0x8F2B, s0  }
0xbd: {  	[sflag:s0] =	ssyncadd.remote.s32 $0x1  }
0xbe: {  	_ =	sfence.sel $0xFFFF  }
0xbf: {  	[dreg:$0x0] =	wrdreg $0xFFFFFFFF;
	(pc) =	sbr.abs _section_cstart, $3  }
0xc0: {  	[dreg:$0x1] =	wrdreg $0xFFFFFFFF  }
0xc1: {  	_ =	task.clear_ibuf [dreg:s7], $0x2FFFF;
	_ =	strace $0x9FFFFFFF  }
0xc2: {  	(tm) =	ssettm $0x7FFFFFFF  }
0xc3: {  	_ =	shalt  }
tec
execute0_lowered:
.L_overlay_start_1:
0x0: {  	(tag) =	ssettag $0x1  }
0x1: {  	s0 =	rddreg [dreg:$0x0]  }
0x2: {  	s1 =	rddreg [dreg:$0x1];
	s2 =	simm.s32 $0x0  }
0x3: {  	s3 =	srdreg.scid;
	s10 =	stileid.u32;
	s28 =	simm.s32 $0x14800  }
0x4: {  	s29 =	simm.s32 $0x1;
	[smem:$0x7FF] =	sst s2;
	s6 =	smul.u32 $0x25800, s10  }
0x5: {  	s5 =	sand.u32 $0x1, s3;
	s3 =	sadd.s32 $0xA00, s1;
	s7 =	smul.u32 $0x12C000, s10  }
0x6: {  	s1 =	sadd.s32 $0x4A00, s1;
	s26 =	sshll.u32 s10, $0x1;
	s9 =	smul.u32 $0x96000, s5  }
0x7: {  	_ =	strace $0x80000047;
	s4 =	ssub.s32 $0x2, s5;
	s30 =	smul.u32 $0x12C00, s5  }
0x8: {  	s5 =	sor.u32 s5, s26;
	s8 =	sshrl.u32 s4, $0x1;
	s31 =	sadd.s32 s6, s1  }
0x9: {  	s5 =	smul.u32 $0xC80, s5;
	s6 =	sadd.s32 s9, s7;
	s9 =	sadd.s32 s30, s31  }
0xa: {  	s4 =	ssub.s32 s4, s8;
	s10 =	sadd.s32 $0xE400, s6;
	[dreg:$0x3] =	wrdreg s9  }
0xb: {  	s12 =	sadd.s32 $0xD800, s6;
	s9 =	sadd.s32 $0xCC00, s6;
	s16 =	sadd.s32 $0xC000, s6  }
0xc: {  	s18 =	sadd.s32 $0xB400, s6;
	s19 =	sadd.s32 $0xA800, s6;
	s23 =	sadd.s32 $0x9C00, s6  }
0xd: {  	s25 =	sadd.s32 $0x9000, s6;
	s26 =	sadd.s32 $0x8400, s6;
	s0 =	sadd.s32 s0, s5  }
0xe: {  	s11 =	sshrl.u32 s10, $0x3;
	s8 =	sshrl.u32 s12, $0x3;
	s14 =	sshrl.u32 s9, $0x3  }
0xf: {  	s17 =	sshrl.u32 s16, $0x3;
	s21 =	sshrl.u32 s19, $0x3;
	s24 =	sshrl.u32 s23, $0x3  }
0x10: {  	s31 =	sshrl.u32 s26, $0x3;
	s9 =	sadd.s32 $0x7800, s6;
	s12 =	sadd.s32 $0x6000, s6  }
0x11: {  	s16 =	sadd.s32 $0x5400, s6;
	s19 =	sadd.s32 $0x3C00, s6;
	s23 =	sadd.s32 $0x3000, s6  }
0x12: {  	[dreg:$0x16] =	wrdreg s0;
	s7 =	sadd.s32 s11, s1;
	s13 =	sadd.s32 s8, s1  }
0x13: {  	s15 =	sadd.s32 s14, s1;
	s8 =	sshrl.u32 s18, $0x3;
	s22 =	sadd.s32 s21, s1  }
0x14: {  	s10 =	sshrl.u32 s9, $0x3;
	s11 =	sadd.s32 $0x6C00, s6;
	s14 =	sshrl.u32 s12, $0x3  }
0x15: {  	s18 =	sadd.s32 $0x4800, s6;
	s21 =	sshrl.u32 s19, $0x3;
	[dreg:$0x4] =	wrdreg s7  }
0x16: {  	s9 =	simm.s32 $0x7000;
	s12 =	simm.s32 $0x9400;
	[dreg:$0x5] =	wrdreg s13  }
0x17: {  	s19 =	simm.s32 $0xE800;
	[dreg:$0x6] =	wrdreg s15;
	s7 =	sadd.s32 s17, s1  }
0x18: {  	s20 =	sadd.s32 s8, s1;
	[dreg:$0x9] =	wrdreg s22;
	s8 =	sshrl.u32 s25, $0x3  }
0x19: {  	s15 =	sadd.s32 s14, s1;
	s17 =	sshrl.u32 s16, $0x3;
	s22 =	sadd.s32 s21, s1  }
0x1a: {  	s25 =	sadd.s32 $0x2400, s6;
	s6 =	sor.u32 $0x1800, s6;
	[dreg:$0x7] =	wrdreg s7  }
0x1b: {  	s14 =	simm.s32 $0xAC00;
	s16 =	simm.s32 $0xC400;
	[dreg:$0x8] =	wrdreg s20  }
0x1c: {  	s21 =	simm.s32 $0x10000;
	s7 =	sadd.s32 s24, s1;
	[dreg:$0xf] =	wrdreg s15  }
0x1d: {  	s30 =	sadd.s32 s8, s1;
	s8 =	sadd.s32 s31, s1;
	[dreg:$0x12] =	wrdreg s22  }
0x1e: {  	s24 =	sshrl.u32 s23, $0x3;
	s6 =	sshrl.u32 s6, $0x3;
	s31 =	smax.u32 s4, $0x1  }
0x1f: {  	s15 =	simm.s32 $0xB800;
	s22 =	simm.s32 $0x10C00;
	[dreg:$0xa] =	wrdreg s7  }
0x20: {  	s23 =	simm.s32 $0x11800;
	s4 =	simm.s32 $0x0;
	[dreg:$0xb] =	wrdreg s30  }
0x21: {  	[dreg:$0xc] =	wrdreg s8;
	s7 =	sadd.s32 s10, s1;
	s8 =	sshrl.u32 s11, $0x3  }
0x22: {  	s30 =	sadd.s32 s6, s1;
	[dreg:$0x17] =	wrdreg s31;
	s10 =	simm.s32 $0x7C00  }
0x23: {  	s11 =	simm.s32 $0x8800;
	[dreg:$0xd] =	wrdreg s7;
	s13 =	sadd.s32 s8, s1  }
0x24: {  	s7 =	sadd.s32 s17, s1;
	s8 =	sshrl.u32 s18, $0x3;
	[dreg:$0x15] =	wrdreg s30  }
0x25: {  	s17 =	simm.s32 $0xD000;
	s18 =	simm.s32 $0xDC00;
	[dreg:$0xe] =	wrdreg s13  }
0x26: {  	[dreg:$0x10] =	wrdreg s7;
	s20 =	sadd.s32 s8, s1;
	s7 =	sadd.s32 s24, s1  }
0x27: {  	s8 =	sshrl.u32 s25, $0x3;
	s13 =	simm.s32 $0xA000;
	[dreg:$0x11] =	wrdreg s20  }
0x28: {  	s24 =	simm.s32 $0x12400;
	s25 =	simm.s32 $0x13000;
	[dreg:$0x13] =	wrdreg s7  }
0x29: {  	s26 =	sadd.s32 s8, s1;
	s7 =	simm.s32 $0x80;
	s8 =	simm.s32 $0x6400  }
0x2a: {  	s20 =	simm.s32 $0xF400;
	[dreg:$0x14] =	wrdreg s26;
	s26 =	simm.s32 $0x13C00  }
.LBB2_1:
0x2b: {  	[dreg:$0x18] =	wrdreg s4  }
0x2c: {  	s0 =	rddreg [dreg:$0x16];
	s31 =	simm.s32 $0x3  }
0x2d: {  	[tilespmem:s2], [sflag:$0x3] =	stream.linear.gather [hbm4b:s0+s2], $0x6400, $0x38;
	[tilespmem:$0x15400] =	vst v63  }
0x2e: {  	_ =	swait.ge [sflag:s31], $0x6400  }
0x2f: {  	s1 =	simm.s32 $0x980;
	s4 =	simm.s32 $0x0;
	[sflag:s31] =	ssyncset.done $0x0  }
0x30: {  	s5 =	simm.s32 $0x0;
	s0 =	simm.s32 $0x2600;
	[sflag:s31] =	ssyncadd.s32 $0xFFFF9C00  }
.LBB2_2:
0x31: {  	p0 =	seq.s32 s5, $0x0  }
0x32: {  	s31 =	simm.s32 @!p0 $0x2  }
0x33: {  	_ =	swait.ge @!p0 [sflag:s31], $0xC00  }
0x34: {  	[sflag:s31] =	ssyncset.done @!p0 $0x0  }
0x35: {  	[sflag:s31] =	ssyncadd.s32 @!p0 $0xFFFFF400  }
0x36: {  	_ =	swait.ge @!p0 [sflag:s31], $0xC00  }
0x37: {  	[sflag:s31] =	ssyncset.done @!p0 $0x0  }
0x38: {  	[sflag:s31] =	ssyncadd.s32 @!p0 $0xFFFFF400  }
0x39: {  	_ =	swait.ge @!p0 [sflag:s31], $0xC00  }
0x3a: {  	[sflag:s31] =	ssyncset.done @!p0 $0x0  }
0x3b: {  	[sflag:s31] =	ssyncadd.s32 @!p0 $0xFFFFF400  }
0x3c: {  	_ =	swait.ge @!p0 [sflag:s31], $0xC00  }
0x3d: {  	[sflag:s31] =	ssyncset.done @!p0 $0x0  }
0x3e: {  	[sflag:s31] =	ssyncadd.s32 @!p0 $0xFFFFF400  }
0x3f: {  	_ =	swait.ge @!p0 [sflag:s31], $0xC00  }
0x40: {  	[sflag:s31] =	ssyncset.done @!p0 $0x0  }
0x41: {  	[sflag:s31] =	ssyncadd.s32 @!p0 $0xFFFFF400  }
0x42: {  	_ =	swait.ge @!p0 [sflag:s31], $0xC00  }
0x43: {  	[sflag:s31] =	ssyncset.done @!p0 $0x0  }
0x44: {  	[sflag:s31] =	ssyncadd.s32 @!p0 $0xFFFFF400  }
0x45: {  	_ =	swait.ge @!p0 [sflag:s31], $0xC00  }
0x46: {  	[sflag:s31] =	ssyncset.done @!p0 $0x0  }
0x47: {  	[sflag:s31] =	ssyncadd.s32 @!p0 $0xFFFFF400  }
0x48: {  	_ =	swait.ge @!p0 [sflag:s31], $0xC00  }
0x49: {  	[sflag:s31] =	ssyncset.done @!p0 $0x0  }
0x4a: {  	[sflag:s31] =	ssyncadd.s32 @!p0 $0xFFFFF400  }
0x4b: {  	_ =	swait.ge @!p0 [sflag:s31], $0xC00  }
0x4c: {  	[sflag:s31] =	ssyncset.done @!p0 $0x0  }
0x4d: {  	[sflag:s31] =	ssyncadd.s32 @!p0 $0xFFFFF400  }
0x4e: {  	_ =	swait.ge @!p0 [sflag:s31], $0xC00  }
0x4f: {  	[sflag:s31] =	ssyncset.done @!p0 $0x0  }
0x50: {  	[sflag:s31] =	ssyncadd.s32 @!p0 $0xFFFFF400  }
0x51: {  	_ =	swait.ge @!p0 [sflag:s31], $0xC00  }
0x52: {  	[sflag:s31] =	ssyncset.done @!p0 $0x0  }
0x53: {  	[sflag:s31] =	ssyncadd.s32 @!p0 $0xFFFFF400  }
0x54: {  	_ =	swait.ge @!p0 [sflag:s31], $0xC00  }
0x55: {  	[sflag:s31] =	ssyncset.done @!p0 $0x0  }
0x56: {  	[sflag:s31] =	ssyncadd.s32 @!p0 $0xFFFFF400  }
0x57: {  	_ =	swait.ge @!p0 [sflag:s31], $0xC00  }
0x58: {  	[sflag:s31] =	ssyncset.done @!p0 $0x0  }
0x59: {  	[sflag:s31] =	ssyncadd.s32 @!p0 $0xFFFFF400  }
0x5a: {  	_ =	swait.ge @!p0 [sflag:s31], $0xC00  }
0x5b: {  	[sflag:s31] =	ssyncset.done @!p0 $0x0  }
0x5c: {  	[sflag:s31] =	ssyncadd.s32 @!p0 $0xFFFFF400  }
0x5d: {  	_ =	swait.ge @!p0 [sflag:s31], $0xC00  }
0x5e: {  	[sflag:s31] =	ssyncset.done @!p0 $0x0  }
0x5f: {  	[sflag:s31] =	ssyncadd.s32 @!p0 $0xFFFFF400  }
0x60: {  	_ =	swait.ge @!p0 [sflag:s31], $0xC00  }
0x61: {  	[sflag:s31] =	ssyncset.done @!p0 $0x0  }
0x62: {  	[sflag:s31] =	ssyncadd.s32 @!p0 $0xFFFFF400  }
0x63: {  	_ =	swait.ge @!p0 [sflag:s31], $0xC00  }
0x64: {  	[sflag:s31] =	ssyncset.done @!p0 $0x0  }
0x65: {  	[sflag:s31] =	ssyncadd.s32 @!p0 $0xFFFFF400  }
0x66: {  	_ =	swait.ge @!p0 [sflag:s31], $0xC00  }
0x67: {  	[sflag:s31] =	ssyncset.done @!p0 $0x0  }
0x68: {  	[sflag:s31] =	ssyncadd.s32 @!p0 $0xFFFFF400  }
0x69: {  	_ =	swait.ge @!p0 [sflag:s31], $0xC00  }
0x6a: {  	[sflag:s31] =	ssyncset.done @!p0 $0x0  }
0x6b: {  	s6 =	sadd.s32 $0xFFFFDA00, s0;
	[sflag:s31] =	ssyncadd.s32 @!p0 $0xFFFFF400  }
0x6c: {  	s30 =	sand.u32 $0x3F000, s6;
	_ =	swait.ge @!p0 [sflag:s31], $0xC00  }
0x6d: {  	s6 =	sand.u32 $0x200, s4;
	s30 =	sshrl.u32 s30, $0x2;
	[sflag:s31] =	ssyncset.done @!p0 $0x0  }
0x6e: {  	s30 =	sor.u32 s6, s30;
	[sflag:s31] =	ssyncadd.s32 @!p0 $0xFFFFF400  }
0x6f: {  	[tilespmem:s8], [sflag:$0x1] =	stream.indirect.gather [hbm4b:s3+s7], $0x18, s30, s7, $0xb8;
	[tilespmem:$0x15400] =	vst v63  }
0x70: {  	s31 =	sor.u32 $0x80, s30  }
0x71: {  	[tilespmem:s9], [sflag:$0x1] =	stream.indirect.gather [hbm4b:s3+s7], $0x18, s31, s7, $0xb8;
	[tilespmem:$0x15400] =	vst v63  }
0x72: {  	s31 =	sor.u32 $0x100, s30  }
0x73: {  	[tilespmem:s10], [sflag:$0x1] =	stream.indirect.gather [hbm4b:s3+s7], $0x18, s31, s7, $0xb8;
	[tilespmem:$0x15400] =	vst v63  }
0x74: {  	s30 =	sor.u32 $0x180, s30  }
0x75: {  	[tilespmem:s11], [sflag:$0x1] =	stream.indirect.gather [hbm4b:s3+s7], $0x18, s30, s7, $0xb8;
	[tilespmem:$0x15400] =	vst v63  }
0x76: {  	s30 =	sadd.s32 $0xFFFFE200, s0  }
0x77: {  	s31 =	sadd.s32 $0xFFFFF880, s1;
	s30 =	sand.u32 $0x7F000, s30  }
0x78: {  	s31 =	sand.u32 $0x200, s31;
	s30 =	sshrl.u32 s30, $0x2  }
0x79: {  	s30 =	sor.u32 s31, s30  }
0x7a: {  	[tilespmem:s12], [sflag:$0x1] =	stream.indirect.gather [hbm4b:s3+s7], $0x18, s30, s7, $0xb8;
	[tilespmem:$0x15400] =	vst v63  }
0x7b: {  	s30 =	sadd.s32 $0xFFFFE400, s0  }
0x7c: {  	s31 =	sadd.s32 $0xFFFFF900, s1;
	s30 =	sand.u32 $0x7F000, s30  }
0x7d: {  	s31 =	sand.u32 $0x280, s31;
	s30 =	sshrl.u32 s30, $0x2  }
0x7e: {  	s30 =	sor.u32 s31, s30  }
0x7f: {  	[tilespmem:s13], [sflag:$0x1] =	stream.indirect.gather [hbm4b:s3+s7], $0x18, s30, s7, $0xb8;
	[tilespmem:$0x15400] =	vst v63  }
0x80: {  	s30 =	sadd.s32 $0xFFFFE600, s0  }
0x81: {  	s31 =	sadd.s32 $0xFFFFF980, s1;
	s30 =	sand.u32 $0x7F000, s30  }
0x82: {  	s31 =	sand.u32 $0x300, s31;
	s30 =	sshrl.u32 s30, $0x2  }
0x83: {  	s30 =	sor.u32 s31, s30  }
0x84: {  	[tilespmem:s14], [sflag:$0x1] =	stream.indirect.gather [hbm4b:s3+s7], $0x18, s30, s7, $0xb8;
	[tilespmem:$0x15400] =	vst v63  }
0x85: {  	s30 =	sadd.s32 $0xFFFFE800, s0  }
0x86: {  	s31 =	sadd.s32 $0xFFFFFA00, s1;
	s30 =	sand.u32 $0x7F000, s30  }
0x87: {  	s31 =	sand.u32 $0x380, s31;
	s30 =	sshrl.u32 s30, $0x2  }
0x88: {  	s30 =	sor.u32 s31, s30;
	s31 =	sadd.s32 $0xFFFFEA00, s0  }
0x89: {  	[tilespmem:s15], [sflag:$0x1] =	stream.indirect.gather [hbm4b:s3+s7], $0x18, s30, s7, $0xb8;
	[tilespmem:$0x15400] =	vst v63  }
0x8a: {  	s30 =	sand.u32 $0x7F000, s31  }
0x8b: {  	s30 =	sshrl.u32 s30, $0x2  }
0x8c: {  	s30 =	sor.u32 s6, s30  }
0x8d: {  	[tilespmem:s16], [sflag:$0x1] =	stream.indirect.gather [hbm4b:s3+s7], $0x18, s30, s7, $0xb8;
	[tilespmem:$0x15400] =	vst v63  }
0x8e: {  	s30 =	sadd.s32 $0xFFFFEC00, s0  }
0x8f: {  	s31 =	sadd.s32 $0xFFFFFB00, s1;
	s30 =	sand.u32 $0x7F000, s30  }
0x90: {  	s31 =	sand.u32 $0x280, s31;
	s30 =	sshrl.u32 s30, $0x2  }
0x91: {  	s30 =	sor.u32 s31, s30  }
0x92: {  	[tilespmem:s17], [sflag:$0x1] =	stream.indirect.gather [hbm4b:s3+s7], $0x18, s30, s7, $0xb8;
	[tilespmem:$0x15400] =	vst v63  }
0x93: {  	s30 =	sadd.s32 $0xFFFFEE00, s0  }
0x94: {  	s31 =	sadd.s32 $0xFFFFFB80, s1;
	s30 =	sand.u32 $0x7F000, s30  }
0x95: {  	s31 =	sand.u32 $0x300, s31;
	s30 =	sshrl.u32 s30, $0x2  }
0x96: {  	s30 =	sor.u32 s31, s30  }
0x97: {  	[tilespmem:s18], [sflag:$0x1] =	stream.indirect.gather [hbm4b:s3+s7], $0x18, s30, s7, $0xb8;
	[tilespmem:$0x15400] =	vst v63  }
0x98: {  	s30 =	sadd.s32 $0xFFFFF000, s0  }
0x99: {  	s31 =	sadd.s32 $0xFFFFFC00, s1;
	s30 =	sand.u32 $0x7F000, s30  }
0x9a: {  	s31 =	sand.u32 $0x380, s31;
	s30 =	sshrl.u32 s30, $0x2  }
0x9b: {  	s30 =	sor.u32 s31, s30  }
0x9c: {  	[tilespmem:s19], [sflag:$0x1] =	stream.indirect.gather [hbm4b:s3+s7], $0x18, s30, s7, $0xb8;
	[tilespmem:$0x15400] =	vst v63  }
0x9d: {  	s30 =	sadd.s32 $0xFFFFF200, s0  }
0x9e: {  	s31 =	sadd.s32 $0xFFFFFC80, s1;
	s30 =	sand.u32 $0x7F000, s30  }
0x9f: {  	s31 =	sand.u32 $0x200, s31;
	s30 =	sshrl.u32 s30, $0x2  }
0xa0: {  	s30 =	sor.u32 s31, s30  }
0xa1: {  	[tilespmem:s20], [sflag:$0x1] =	stream.indirect.gather [hbm4b:s3+s7], $0x18, s30, s7, $0xb8;
	[tilespmem:$0x15400] =	vst v63  }
0xa2: {  	s30 =	sadd.s32 $0xFFFFF400, s0  }
0xa3: {  	s31 =	sadd.s32 $0xFFFFFD00, s1;
	s30 =	sand.u32 $0x7F000, s30  }
0xa4: {  	s31 =	sand.u32 $0x280, s31;
	s30 =	sshrl.u32 s30, $0x2  }
0xa5: {  	s30 =	sor.u32 s31, s30  }
0xa6: {  	[tilespmem:s21], [sflag:$0x1] =	stream.indirect.gather [hbm4b:s3+s7], $0x18, s30, s7, $0xb8;
	[tilespmem:$0x15400] =	vst v63  }
0xa7: {  	s30 =	sadd.s32 $0xFFFFF600, s0  }
0xa8: {  	s31 =	sadd.s32 $0xFFFFFD80, s1;
	s30 =	sand.u32 $0x7F000, s30  }
0xa9: {  	s31 =	sand.u32 $0x300, s31;
	s30 =	sshrl.u32 s30, $0x2  }
0xaa: {  	s30 =	sor.u32 s31, s30  }
0xab: {  	[tilespmem:s22], [sflag:$0x1] =	stream.indirect.gather [hbm4b:s3+s7], $0x18, s30, s7, $0xb8;
	[tilespmem:$0x15400] =	vst v63  }
0xac: {  	s30 =	sadd.s32 $0xFFFFF800, s0  }
0xad: {  	s31 =	sadd.s32 $0xFFFFFE00, s1;
	s30 =	sand.u32 $0x7F000, s30  }
0xae: {  	s31 =	sand.u32 $0x380, s31;
	s30 =	sshrl.u32 s30, $0x2  }
0xaf: {  	s30 =	sor.u32 s31, s30;
	s31 =	sadd.s32 $0xFFFFFA00, s0  }
0xb0: {  	[tilespmem:s23], [sflag:$0x1] =	stream.indirect.gather [hbm4b:s3+s7], $0x18, s30, s7, $0xb8;
	[tilespmem:$0x15400] =	vst v63  }
0xb1: {  	s30 =	sand.u32 $0x7F000, s31  }
0xb2: {  	s30 =	sshrl.u32 s30, $0x2  }
0xb3: {  	s6 =	sor.u32 s6, s30  }
0xb4: {  	[tilespmem:s24], [sflag:$0x1] =	stream.indirect.gather [hbm4b:s3+s7], $0x18, s6, s7, $0xb8;
	[tilespmem:$0x15400] =	vst v63  }
0xb5: {  	s6 =	sadd.s32 $0xFFFFFC00, s0  }
0xb6: {  	s31 =	sadd.s32 $0xFFFFFF00, s1;
	s6 =	sand.u32 $0x7F000, s6  }
0xb7: {  	s30 =	sand.u32 $0x280, s31;
	s6 =	sshrl.u32 s6, $0x2  }
0xb8: {  	s6 =	sor.u32 s30, s6  }
0xb9: {  	[tilespmem:s25], [sflag:$0x1] =	stream.indirect.gather [hbm4b:s3+s7], $0x18, s6, s7, $0xb8;
	[tilespmem:$0x15400] =	vst v63  }
0xba: {  	s6 =	sadd.s32 $0xFFFFFE00, s0  }
0xbb: {  	s31 =	sadd.s32 $0xFFFFFF80, s1;
	s6 =	sand.u32 $0x7F000, s6  }
0xbc: {  	s30 =	sand.u32 $0x300, s31;
	s6 =	sshrl.u32 s6, $0x2  }
0xbd: {  	s6 =	sor.u32 s30, s6  }
0xbe: {  	[tilespmem:s26], [sflag:$0x1] =	stream.indirect.gather [hbm4b:s3+s7], $0x18, s6, s7, $0xb8;
	[tilespmem:$0x15400] =	vst v63  }
0xbf: {  	s6 =	sand.u32 $0x7F000, s0  }
0xc0: {  	s31 =	sand.u32 $0x380, s1;
	s6 =	sshrl.u32 s6, $0x2  }
0xc1: {  	s6 =	sor.u32 s31, s6  }
0xc2: {  	[tilespmem:s28], [sflag:$0x1] =	stream.indirect.gather [hbm4b:s3+s7], $0x18, s6, s7, $0xb8;
	[tilespmem:$0x15400] =	vst v63  }
0xc3: {  	_ =	swait.ge [sflag:s29], $0xC00  }
0xc4: {  	[sflag:s29] =	ssyncset.done $0x0  }
0xc5: {  	[sflag:s29] =	ssyncadd.s32 $0xFFFFF400  }
0xc6: {  	_ =	swait.ge [sflag:s29], $0xC00  }
0xc7: {  	[sflag:s29] =	ssyncset.done $0x0  }
0xc8: {  	[sflag:s29] =	ssyncadd.s32 $0xFFFFF400  }
0xc9: {  	_ =	swait.ge [sflag:s29], $0xC00  }
0xca: {  	[sflag:s29] =	ssyncset.done $0x0  }
0xcb: {  	[sflag:s29] =	ssyncadd.s32 $0xFFFFF400  }
0xcc: {  	_ =	swait.ge [sflag:s29], $0xC00  }
0xcd: {  	[sflag:s29] =	ssyncset.done $0x0  }
0xce: {  	[sflag:s29] =	ssyncadd.s32 $0xFFFFF400  }
0xcf: {  	_ =	swait.ge [sflag:s29], $0xC00  }
0xd0: {  	[sflag:s29] =	ssyncset.done $0x0  }
0xd1: {  	[sflag:s29] =	ssyncadd.s32 $0xFFFFF400  }
0xd2: {  	_ =	swait.ge [sflag:s29], $0xC00  }
0xd3: {  	[sflag:s29] =	ssyncset.done $0x0  }
0xd4: {  	[sflag:s29] =	ssyncadd.s32 $0xFFFFF400  }
0xd5: {  	_ =	swait.ge [sflag:s29], $0xC00  }
0xd6: {  	[sflag:s29] =	ssyncset.done $0x0  }
0xd7: {  	[sflag:s29] =	ssyncadd.s32 $0xFFFFF400  }
0xd8: {  	_ =	swait.ge [sflag:s29], $0xC00  }
0xd9: {  	[sflag:s29] =	ssyncset.done $0x0  }
0xda: {  	[sflag:s29] =	ssyncadd.s32 $0xFFFFF400  }
0xdb: {  	_ =	swait.ge [sflag:s29], $0xC00  }
0xdc: {  	[sflag:s29] =	ssyncset.done $0x0  }
0xdd: {  	[sflag:s29] =	ssyncadd.s32 $0xFFFFF400  }
0xde: {  	_ =	swait.ge [sflag:s29], $0xC00  }
0xdf: {  	[sflag:s29] =	ssyncset.done $0x0  }
0xe0: {  	[sflag:s29] =	ssyncadd.s32 $0xFFFFF400  }
0xe1: {  	_ =	swait.ge [sflag:s29], $0xC00  }
0xe2: {  	[sflag:s29] =	ssyncset.done $0x0  }
0xe3: {  	[sflag:s29] =	ssyncadd.s32 $0xFFFFF400  }
0xe4: {  	_ =	swait.ge [sflag:s29], $0xC00  }
0xe5: {  	[sflag:s29] =	ssyncset.done $0x0  }
0xe6: {  	[sflag:s29] =	ssyncadd.s32 $0xFFFFF400  }
0xe7: {  	_ =	swait.ge [sflag:s29], $0xC00  }
0xe8: {  	[sflag:s29] =	ssyncset.done $0x0  }
0xe9: {  	[sflag:s29] =	ssyncadd.s32 $0xFFFFF400  }
0xea: {  	_ =	swait.ge [sflag:s29], $0xC00  }
0xeb: {  	[sflag:s29] =	ssyncset.done $0x0  }
0xec: {  	[sflag:s29] =	ssyncadd.s32 $0xFFFFF400  }
0xed: {  	_ =	swait.ge [sflag:s29], $0xC00  }
0xee: {  	[sflag:s29] =	ssyncset.done $0x0  }
0xef: {  	[sflag:s29] =	ssyncadd.s32 $0xFFFFF400  }
0xf0: {  	_ =	swait.ge [sflag:s29], $0xC00  }
0xf1: {  	[sflag:s29] =	ssyncset.done $0x0  }
0xf2: {  	[sflag:s29] =	ssyncadd.s32 $0xFFFFF400  }
0xf3: {  	_ =	swait.ge [sflag:s29], $0xC00  }
0xf4: {  	[sflag:s29] =	ssyncset.done $0x0  }
0xf5: {  	[sflag:s29] =	ssyncadd.s32 $0xFFFFF400  }
0xf6: {  	_ =	swait.ge [sflag:s29], $0xC00  }
0xf7: {  	[sflag:s29] =	ssyncset.done $0x0  }
0xf8: {  	[sflag:s29] =	ssyncadd.s32 $0xFFFFF400  }
0xf9: {  	_ =	swait.ge [sflag:s29], $0xC00  }
0xfa: {  	[sflag:s29] =	ssyncset.done $0x0  }
0xfb: {  	[sflag:s29] =	ssyncadd.s32 $0xFFFFF400  }
0xfc: {  	_ =	swait.ge [sflag:s29], $0xC00  }
0xfd: {  	s30 =	rddreg [dreg:$0x3];
	[sflag:s29] =	ssyncset.done $0x0  }
0xfe: {  	s31 =	rddreg [dreg:$0x14];
	[sflag:s29] =	ssyncadd.s32 $0xFFFFF400;
	s6 =	sadd.s32 s5, s30  }
0xff: {  	[hbm4b:s6+s2] =	stream.linear.scatter [tilespmem:s8], [sflag:$0x2], $0xC00, $0x38;
	[tilespmem:$0x15400] =	vst v63  }
0x100: {  	s30 =	rddreg [dreg:$0x15];
	s6 =	sadd.s32 $0x180, s6  }
0x101: {  	[hbm4b:s6+s2] =	stream.linear.scatter [tilespmem:s9], [sflag:$0x2], $0xC00, $0x38;
	[tilespmem:$0x15400] =	vst v63  }
0x102: {  	s30 =	sadd.s32 s5, s30;
	s6 =	sadd.s32 s5, s31;
	s31 =	rddreg [dreg:$0x12]  }
0x103: {  	[hbm4b:s30+s2] =	stream.linear.scatter [tilespmem:s10], [sflag:$0x2], $0xC00, $0x38;
	[tilespmem:$0x15400] =	vst v63  }
0x104: {  	s30 =	rddreg [dreg:$0x13]  }
0x105: {  	[hbm4b:s6+s2] =	stream.linear.scatter [tilespmem:s11], [sflag:$0x2], $0xC00, $0x38;
	[tilespmem:$0x15400] =	vst v63  }
0x106: {  	s30 =	sadd.s32 s5, s30;
	s6 =	sadd.s32 s5, s31;
	s31 =	rddreg [dreg:$0x10]  }
0x107: {  	[hbm4b:s30+s2] =	stream.linear.scatter [tilespmem:s12], [sflag:$0x2], $0xC00, $0x38;
	[tilespmem:$0x15400] =	vst v63  }
0x108: {  	s30 =	rddreg [dreg:$0x11]  }
0x109: {  	[hbm4b:s6+s2] =	stream.linear.scatter [tilespmem:s13], [sflag:$0x2], $0xC00, $0x38;
	[tilespmem:$0x15400] =	vst v63  }
0x10a: {  	s30 =	sadd.s32 s5, s30;
	s6 =	sadd.s32 s5, s31;
	s31 =	rddreg [dreg:$0xe]  }
0x10b: {  	[hbm4b:s30+s2] =	stream.linear.scatter [tilespmem:s14], [sflag:$0x2], $0xC00, $0x38;
	[tilespmem:$0x15400] =	vst v63  }
0x10c: {  	s30 =	rddreg [dreg:$0xf]  }
0x10d: {  	[hbm4b:s6+s2] =	stream.linear.scatter [tilespmem:s15], [sflag:$0x2], $0xC00, $0x38;
	[tilespmem:$0x15400] =	vst v63  }
0x10e: {  	s30 =	sadd.s32 s5, s30;
	s6 =	sadd.s32 s5, s31;
	s31 =	rddreg [dreg:$0xc]  }
0x10f: {  	[hbm4b:s30+s2] =	stream.linear.scatter [tilespmem:s16], [sflag:$0x2], $0xC00, $0x38;
	[tilespmem:$0x15400] =	vst v63  }
0x110: {  	s30 =	rddreg [dreg:$0xd]  }
0x111: {  	[hbm4b:s6+s2] =	stream.linear.scatter [tilespmem:s17], [sflag:$0x2], $0xC00, $0x38;
	[tilespmem:$0x15400] =	vst v63  }
0x112: {  	s30 =	sadd.s32 s5, s30;
	s6 =	sadd.s32 s5, s31;
	s31 =	rddreg [dreg:$0xa]  }
0x113: {  	[hbm4b:s30+s2] =	stream.linear.scatter [tilespmem:s18], [sflag:$0x2], $0xC00, $0x38;
	[tilespmem:$0x15400] =	vst v63  }
0x114: {  	s30 =	rddreg [dreg:$0xb]  }
0x115: {  	[hbm4b:s6+s2] =	stream.linear.scatter [tilespmem:s19], [sflag:$0x2], $0xC00, $0x38;
	[tilespmem:$0x15400] =	vst v63  }
0x116: {  	s30 =	sadd.s32 s5, s30;
	s6 =	sadd.s32 s5, s31;
	s31 =	rddreg [dreg:$0x8]  }
0x117: {  	[hbm4b:s30+s2] =	stream.linear.scatter [tilespmem:s20], [sflag:$0x2], $0xC00, $0x38;
	[tilespmem:$0x15400] =	vst v63  }
0x118: {  	s30 =	rddreg [dreg:$0x9]  }
0x119: {  	[hbm4b:s6+s2] =	stream.linear.scatter [tilespmem:s21], [sflag:$0x2], $0xC00, $0x38;
	[tilespmem:$0x15400] =	vst v63  }
0x11a: {  	s30 =	sadd.s32 s5, s30;
	s6 =	sadd.s32 s5, s31;
	s31 =	rddreg [dreg:$0x6]  }
0x11b: {  	[hbm4b:s30+s2] =	stream.linear.scatter [tilespmem:s22], [sflag:$0x2], $0xC00, $0x38;
	[tilespmem:$0x15400] =	vst v63  }
0x11c: {  	s30 =	rddreg [dreg:$0x7]  }
0x11d: {  	[hbm4b:s6+s2] =	stream.linear.scatter [tilespmem:s23], [sflag:$0x2], $0xC00, $0x38;
	[tilespmem:$0x15400] =	vst v63  }
0x11e: {  	s30 =	sadd.s32 s5, s30;
	s6 =	sadd.s32 s5, s31;
	s31 =	rddreg [dreg:$0x4]  }
0x11f: {  	[hbm4b:s30+s2] =	stream.linear.scatter [tilespmem:s24], [sflag:$0x2], $0xC00, $0x38;
	[tilespmem:$0x15400] =	vst v63  }
0x120: {  	s30 =	rddreg [dreg:$0x5]  }
0x121: {  	[hbm4b:s6+s2] =	stream.linear.scatter [tilespmem:s25], [sflag:$0x2], $0xC00, $0x38;
	[tilespmem:$0x15400] =	vst v63  }
0x122: {  	s30 =	sadd.s32 s5, s30;
	s6 =	sadd.s32 s5, s31;
	s5 =	sadd.s32 $0x1E00, s5  }
0x123: {  	p0 =	sne.s32 s5, $0x12C00  }
.Ltmp0:
0x124: {  	_ = 	snop;
	(pc) =	sbr.rel @p0 .LBB2_2-.Ltmp0, $4  }
0x125: {  	_ = 	snop  }
0x126: {  	[hbm4b:s30+s2] =	stream.linear.scatter [tilespmem:s26], [sflag:$0x2], $0xC00, $0x38;
	[tilespmem:$0x15400] =	vst v63  }
0x127: {  	s4 =	sadd.s32 $0x200, s4;
	s1 =	sadd.s32 $0xA00, s1;
	s0 =	sadd.s32 $0x2800, s0  }
0x128: {  	[hbm4b:s6+s2] =	stream.linear.scatter [tilespmem:s28], [sflag:$0x2], $0xC00, $0x38;
	[tilespmem:$0x15400] =	vst v63  }
0x129: {  	s1 =	simm.s32 $0x2  }
0x12a: {  	_ =	swait.ge [sflag:s1], $0xC00  }
0x12b: {  	[sflag:s1] =	ssyncset.done $0x0  }
0x12c: {  	[sflag:s1] =	ssyncadd.s32 $0xFFFFF400  }
0x12d: {  	_ =	swait.ge [sflag:s1], $0xC00  }
0x12e: {  	[sflag:s1] =	ssyncset.done $0x0  }
0x12f: {  	[sflag:s1] =	ssyncadd.s32 $0xFFFFF400  }
0x130: {  	_ =	swait.ge [sflag:s1], $0xC00  }
0x131: {  	[sflag:s1] =	ssyncset.done $0x0  }
0x132: {  	[sflag:s1] =	ssyncadd.s32 $0xFFFFF400  }
0x133: {  	_ =	swait.ge [sflag:s1], $0xC00  }
0x134: {  	[sflag:s1] =	ssyncset.done $0x0  }
0x135: {  	[sflag:s1] =	ssyncadd.s32 $0xFFFFF400  }
0x136: {  	_ =	swait.ge [sflag:s1], $0xC00  }
0x137: {  	[sflag:s1] =	ssyncset.done $0x0  }
0x138: {  	[sflag:s1] =	ssyncadd.s32 $0xFFFFF400  }
0x139: {  	_ =	swait.ge [sflag:s1], $0xC00  }
0x13a: {  	[sflag:s1] =	ssyncset.done $0x0  }
0x13b: {  	[sflag:s1] =	ssyncadd.s32 $0xFFFFF400  }
0x13c: {  	_ =	swait.ge [sflag:s1], $0xC00  }
0x13d: {  	[sflag:s1] =	ssyncset.done $0x0  }
0x13e: {  	[sflag:s1] =	ssyncadd.s32 $0xFFFFF400  }
0x13f: {  	_ =	swait.ge [sflag:s1], $0xC00  }
0x140: {  	[sflag:s1] =	ssyncset.done $0x0  }
0x141: {  	[sflag:s1] =	ssyncadd.s32 $0xFFFFF400  }
0x142: {  	_ =	swait.ge [sflag:s1], $0xC00  }
0x143: {  	[sflag:s1] =	ssyncset.done $0x0  }
0x144: {  	[sflag:s1] =	ssyncadd.s32 $0xFFFFF400  }
0x145: {  	_ =	swait.ge [sflag:s1], $0xC00  }
0x146: {  	[sflag:s1] =	ssyncset.done $0x0  }
0x147: {  	[sflag:s1] =	ssyncadd.s32 $0xFFFFF400  }
0x148: {  	_ =	swait.ge [sflag:s1], $0xC00  }
0x149: {  	[sflag:s1] =	ssyncset.done $0x0  }
0x14a: {  	[sflag:s1] =	ssyncadd.s32 $0xFFFFF400  }
0x14b: {  	_ =	swait.ge [sflag:s1], $0xC00  }
0x14c: {  	[sflag:s1] =	ssyncset.done $0x0  }
0x14d: {  	[sflag:s1] =	ssyncadd.s32 $0xFFFFF400  }
0x14e: {  	_ =	swait.ge [sflag:s1], $0xC00  }
0x14f: {  	[sflag:s1] =	ssyncset.done $0x0  }
0x150: {  	[sflag:s1] =	ssyncadd.s32 $0xFFFFF400  }
0x151: {  	_ =	swait.ge [sflag:s1], $0xC00  }
0x152: {  	[sflag:s1] =	ssyncset.done $0x0  }
0x153: {  	[sflag:s1] =	ssyncadd.s32 $0xFFFFF400  }
0x154: {  	_ =	swait.ge [sflag:s1], $0xC00  }
0x155: {  	[sflag:s1] =	ssyncset.done $0x0  }
0x156: {  	[sflag:s1] =	ssyncadd.s32 $0xFFFFF400  }
0x157: {  	_ =	swait.ge [sflag:s1], $0xC00  }
0x158: {  	[sflag:s1] =	ssyncset.done $0x0  }
0x159: {  	[sflag:s1] =	ssyncadd.s32 $0xFFFFF400  }
0x15a: {  	_ =	swait.ge [sflag:s1], $0xC00  }
0x15b: {  	[sflag:s1] =	ssyncset.done $0x0  }
0x15c: {  	[sflag:s1] =	ssyncadd.s32 $0xFFFFF400  }
0x15d: {  	_ =	swait.ge [sflag:s1], $0xC00  }
0x15e: {  	[sflag:s1] =	ssyncset.done $0x0  }
0x15f: {  	[sflag:s1] =	ssyncadd.s32 $0xFFFFF400  }
0x160: {  	_ =	swait.ge [sflag:s1], $0xC00  }
0x161: {  	[sflag:s1] =	ssyncset.done $0x0  }
0x162: {  	[sflag:s1] =	ssyncadd.s32 $0xFFFFF400  }
0x163: {  	_ =	swait.ge [sflag:s1], $0xC00  }
0x164: {  	s4 =	rddreg [dreg:$0x18]  }
0x165: {  	s0 =	rddreg [dreg:$0x17];
	s4 =	sadd.s32 $0x1, s4  }
0x166: {  	p0 =	sne.s32 s4, s0  }
.Ltmp1:
0x167: {  	_ = 	snop;
	(pc) =	sbr.rel @p0 .LBB2_1-.Ltmp1, $3  }
0x168: {  	_ =	sdelay $0x1  }
0x169: {  	[sflag:s1] =	ssyncset.done $0x0  }
0x16a: {  	[sflag:s1] =	ssyncadd.s32 $0xFFFFF400  }
0x16b: {  	_ =	sfence.sel $0x180000  }
0x16c: {  	[bflag:$0x0] =	sbarrier.arrive $0xFFFF  }
0x16d: {  	_ =	strace $0x90000047  }
0x16e: {  	s0 =	stileid.u32;
	[bflag:$0x2] =	sbarrier.arrive $0xFFFF  }
0x16f: {  	p0 =	sne.s32 s0, $0x0;
	s0 =	rddreg [dreg:$0x2]  }
0x170: {  	s0 =	sadd.s32 @!p0 $0x100000, s0  }
0x171: {  	[sflag:s0] =	ssyncadd.tile.s32 @!p0 $0x1;
	_ =	shalt  }
.Lfunc_end2:
_tile_overlayer_lowered:
.L_overlay_start_2:
0x172: {  	(tag) =	ssettag $0x2  }
0x173: {  	s0 =	rddreg [dreg:$0x0];
	s2 =	stileid.u32  }
0x174: {  	s1 =	rddreg [dreg:$0x1];
	p0 =	sne.s32 s2, $0x0  }
0x175: {  	s3 =	rddreg [dreg:$0x2];
	[bflag:$0x3] =	sbarrier.arrive $0xFFFF;
	s2 =	simm.s32 @!p0 $0x1C03  }
0x176: {  	[timem:s3], [sflag:s2] =	dma.local @!p0 [hbm:s0], s1  }
0x177: {  	s0 =	simm.s32 @!p0 $0x3  }
0x178: {  	_ =	swait.ge @!p0 [sflag:s0], s1  }
0x179: {  	s1 =	ssub.s32 @!p0 $0x0, s1;
	[sflag:s0] =	ssyncset.done @!p0 $0x0  }
0x17a: {  	[sflag:s0] =	ssyncadd.s32 @!p0 s1  }
0x17b: {  	[bflag:$0x3] =	sbarrier.arrive $0xFFFF  }
0x17c: {  	_ =	shalt  }

// kernel: sparse-core-data-format-call.cloned.1.call-start
scs
called_computation_lowered:
.L_overlay_start_0:
0x0: {  	s2 =	sld [smem:$0x3FD9]  }
0x1: {  	s3 =	sld [smem:$0x3FFE];
	_ =	sdelay $0x1  }
0x2: {  	s1 =	srdreg.scid  }
0x3: {  	s0 =	sand.u32 $0x1, s1  }
0x4: {  	s18 =	sshll.u32 s0, $0xA;
	s2 =	sadd.s32 s3, s2  }
0x5: {  	s2 =	sadd.s32 s2, s18  }
0x6: {  	[smem:$0x3FC6] =	sst s2  }
0x7: {  	_ = 	snop  }
0x8: {  	s2 =	sld [smem:$0x3FD0];
	(tm) =	ssettm $0x1  }
0x9: {  	s19 =	sld [smem:$0x3FFB];
	_ =	sdelay $0x3  }
0xa: {  	_ =	strace s19  }
0xb: {  	s3 =	sld [smem:$0x3FFC];
	_ =	sdelay $0x3  }
0xc: {  	_ =	strace s3  }
0xd: {  	s3 =	sld [smem:$0x3FFD];
	_ =	sdelay $0x3  }
0xe: {  	_ =	strace s3  }
0xf: {  	_ =	strace $0x8FFFFFFF  }
0x10: {  	s20 =	sld [smem:$0x3FDB];
	_ =	sdelay $0x1  }
0x11: {  	s4 =	simm.s32 $_scs_section_size  }
0x12: {  	s5 =	simm.s32 $_size__tile_overlayer_lowered;
	s6 =	simm.s32 $_tile_overlayer_lowered  }
0x13: {  	s23 =	simm.s32 $0x1BFF;
	s22 =	sshll.u32 s6, $0x1;
	s3 =	sadd.s32 s4, s20  }
0x14: {  	s7 =	simm.s32 $0x0;
	s21 =	sshll.u32 s5, $0x1;
	s5 =	sadd.s32 s22, s3  }
0x15: {  	[timem:s7], [sflag:s23] =	dma.local [hbm:s5], s21  }
0x16: {  	_ =	swait.ge [sflag:s23], s21  }
0x17: {  	s4 =	ssub.s32 $0x0, s21;
	[sflag:s23] =	ssyncset.done $0x0  }
0x18: {  	[sflag:s23] =	ssyncadd.s32 s4;
	_ =	sdelay $0x1  }
0x19: {  	s24 =	simm.s32 $0x1B8B  }
0x1a: {  	_ =	swait.ge [sflag:s24], $0x1  }
0x1b: {  	[sflag:s24] =	ssyncset.done $0x0  }
0x1c: {  	s26 =	simm.s32 $0x1B8E;
	s25 =	sld [smem:$0x3FFE];
	[sflag:s24] =	ssyncadd.s32 $0xFFFFFFFF  }
0x1d: {  	s27 =	simm.s32 $execute0_lowered;
	[smem:$0x3FD2] =	sst s26  }
0x1e: {  	s5 =	sshll.u32 s27, $0x1;
	_ =	strace $0x80000049;
	[dreg:$0x1] =	wrdreg $0xFFFFFFFF  }
0x1f: {  	s28 =	simm.s32 $_size_execute0_lowered;
	s3 =	sadd.s32 s3, s5;
	[dreg:$0x0] =	wrdreg $0x0  }
0x20: {  	s5 =	sshll.u32 s28, $0x1;
	[dreg:$0x2] =	wrdreg s3  }
0x21: {  	[dreg:$0x3] =	wrdreg s5  }
0x22: {  	[dreg:$0x4] =	wrdreg $0xC0  }
0x23: {  	_ =	task [dreg:s7], $0x5FFFF  }
0x24: {  	[dreg:$0x1] =	wrdreg $0xFFFFFFFF  }
0x25: {  	[dreg:$0x0] =	wrdreg $0x60  }
0x26: {  	[dreg:$0x2] =	wrdreg s25  }
0x27: {  	[dreg:$0x3] =	wrdreg s2  }
0x28: {  	[dreg:$0x4] =	wrdreg $0x9  }
0x29: {  	_ =	task.clear_ibuf [dreg:s7], $0x5FFFF;
	_ =	strace $0x90000049  }
0x2a: {  	s29 =	simm.s32 $0x9;
	_ =	strace $0x8000004B  }
0x2b: {  	_ =	swait.ge [sflag:s29], $0x1  }
0x2c: {  	[sflag:s29] =	ssyncadd.s32 $0xFFFFFFFF  }
0x2d: {  	_ =	strace $0x9000004B  }
0x2e: {  	_ =	sfence  }
0x2f: {  	s30 =	sld [smem:$0x0];
	_ =	sdelay $0x2  }
0x30: {  	s31 =	sshll.u32 s1, $0xD;
	s1 =	sshrl.u32 s1, $0x2  }
0x31: {  	s3 =	sand.u32 $0x4000, s31;
	s1 =	sadd.s32 s1, s30  }
0x32: {  	s0 =	sor.u32 s3, s0;
	s1 =	sshll.u32 s1, $0x11  }
0x33: {  	s0 =	sor.u32 s1, s0  }
0x34: {  	s0 =	sadd.s32 $0x8F2B, s0  }
0x35: {  	[sflag:s0] =	ssyncadd.remote.s32 $0x1  }
0x36: {  	_ =	sfence.sel $0xFFFF  }
0x37: {  	[dreg:$0x0] =	wrdreg $0xFFFFFFFF;
	(pc) =	sbr.abs _section_cstart, $3  }
0x38: {  	[dreg:$0x1] =	wrdreg $0xFFFFFFFF  }
0x39: {  	_ =	task.clear_ibuf [dreg:s7], $0x2FFFF;
	_ =	strace $0x9FFFFFFF  }
0x3a: {  	(tm) =	ssettm $0x7FFFFFFF  }
0x3b: {  	_ =	shalt  }
tec
execute0_lowered:
.L_overlay_start_1:
0x0: {  	(tag) =	ssettag $0x1  }
0x1: {  	s0 =	srdreg.scid;
	s6 =	rddreg [dreg:$0x0]  }
0x2: {  	s3 =	rddreg [dreg:$0x1];
	s1 =	sshll.u32 s0, $0x4  }
0x3: {  	s5 =	simm.s32 $0x1;
	s0 =	stileid.u32;
	s1 =	sand.u32 $0x10, s1  }
0x4: {  	s31 =	simm.s32 $0x2;
	s18 =	simm.s32 $0x0;
	s1 =	sor.u32 s0, s1  }
0x5: {  	s8 =	simm.s32 $0xC8000;
	s17 =	simm.s32 $0x0;
	s2 =	sshll.u32 s1, $0x7  }
0x6: {  	s16 =	simm.s32 $0x0;
	s9 =	simm.s32 $0x0;
	s4 =	ssub.s32 $0x1000, s2  }
0x7: {  	s10 =	simm.s32 $0x0;
	s11 =	simm.s32 $0x0;
	s30 =	sand.u32 $0xF80, s4  }
0x8: {  	s12 =	simm.s32 $0x0;
	s13 =	simm.s32 $0x0;
	p0 =	sne.s32 s30, $0x0  }
.Ltmp0:
0x9: {  	s7 =	sshrl.u32 s4, $0xC;
	s5 =	simm.s32 @!p0 $0x0;
	(pc) =	sbr.rel .LBB1_1-.Ltmp0, $4  }
0xa: {  	s15 =	simm.s32 $0x0;
	s1 =	rddreg [dreg:$0x2];
	s5 =	sadd.s32 s5, s7  }
0xb: {  	_ =	strace $0x8000004A;
	s4 =	simm.s32 $0x1;
	s5 =	smul.u32 $0x258, s5  }
0xc: {  	s6 =	sadd.s32 $0x25CA00, s6;
	s14 =	smov.u32 s2;
	[sflag:s4] =	ssyncpa.u1 $0x0  }
0xd: {  	[sflag:s31] =	ssyncpa.u1 $0x0;
	p0 =	por $0x0, $0x0;
	s7 =	sor.u32 $0x1, s5  }
.LBB1_4:
0xe: {  	s21 =	sshll.u32 s10, $0xC;
	s22 =	sshll.u32 s11, $0x3;
	p1 =	sgt.s32 s10, $0xC7  }
0xf: {  	s24 =	smov.u32 s10;
	s25 =	sshra.s32 s10, $0x1F;
	s26 =	smov.u32 s9  }
0x10: {  	s27 =	sshra.s32 s11, $0x1F;
	s30 =	sshra.s32 s9, $0x1F;
	s21 =	sand.u32 $0xFFFF8000, s21  }
0x11: {  	s23 =	sand.u32 $0xFFFFFC00, s22;
	s24 =	simm.s32 @!p1 $0xC7;
	p1 =	sgt.s32 s9, $0xD  }
0x12: {  	s25 =	sand.u32 s25, s10;
	s29 =	sand.u32 s27, s11;
	s27 =	sshll.u32 s10, $0x7  }
0x13: {  	s22 =	sand.u32 $0xC00, s22;
	s21 =	sadd.s32 s23, s21;
	s26 =	simm.s32 @!p1 $0xD  }
0x14: {  	s28 =	ssub.s32 s24, s25;
	p1 =	sgt.s32 s11, $0xF80;
	s25 =	smov.u32 s11  }
0x15: {  	s27 =	sand.u32 $0x380, s27;
	s24 =	sadd.s32 $0xFFFFFF39, s28;
	s25 =	simm.s32 @!p1 $0xF80  }
0x16: {  	s21 =	sshrl.u32 s21, $0xC;
	s23 =	ssub.s32 $0xC8, s28;
	p1 =	sgt.s32 s24, $0x0  }
0x17: {  	s24 =	ssub.s32 s25, s29;
	s25 =	sand.u32 s30, s9;
	s29 =	smulhi.u32 $0x147AE15, s21  }
0x18: {  	s30 =	sand.u32 $0x78, s11;
	s25 =	ssub.s32 s26, s25;
	s23 =	simm.s32 @p1 $0x0  }
0x19: {  	s31 =	sadd.s32 $0xFFFFF080, s24;
	s24 =	ssub.s32 $0x1000, s24;
	s22 =	sor.u32 s30, s22  }
0x1a: {  	p1 =	sgt.s32 s31, $0x7F;
	s28 =	sadd.s32 $0xFFFFFFF3, s25;
	s26 =	smul.u32 $0xC8, s29  }
0x1b: {  	s25 =	ssub.s32 $0x15, s25;
	s31 =	smul.u32 $0x19000, s9;
	s24 =	simm.s32 @p1 $0x0  }
0x1c: {  	s22 =	sor.u32 s27, s22;
	p1 =	sgt.s32 s28, $0x7;
	s23 =	smul.u32 s24, s23  }
0x1d: {  	s22 =	sshrl.u32 s22, $0x3;
	s28 =	sand.u32 $0x7, s11;
	s25 =	simm.s32 @p1 $0x0  }
0x1e: {  	s21 =	ssub.s32 s21, s26;
	s24 =	sadd.s32 s3, s31;
	s23 =	smul.u32 s25, s23  }
0x1f: {  	s29 =	sshll.u32 s28, $0x12;
	s21 =	sshll.u32 s21, $0x9;
	s22 =	sadd.s32 s22, s24  }
0x20: {  	[tilespmem:s20+$0x0 ss:$0x81] =	vst.msk $0xff, v0;
	s31 =	sor.u32 $0x80, s29;
	s21 =	sadd.s32 s21, s22;
	s30 =	sand.u32 $0x3FFFFFFF, s23  }
0x21: {  	[hbm4b:s21+s31] =	stream.strided.scatter [tilespmem:s19], [sflag:$0x2], s30, s8, s31, $0x20;
	[tilespmem:$0x1010] =	vst v63  }
.LBB1_5:
0x22: {  	p1 =	slt.u32 s15, $0x2  }
0x23: {  	p2 =	sgt.s32 @!p1 s18, $0xD  }
0x24: {  	s19 =	smov.u32 s18;
	s20 =	sshra.s32 @!p1 s18, $0x1F;
	p2 =	por !p2, p1  }
0x25: {  	s18 =	sand.u32 @!p1 s20, s18;
	s19 =	simm.s32 @p2 $0xD  }
0x26: {  	s20 =	sshra.s32 @!p1 s17, $0x1F;
	p2 =	sgt.s32 @!p1 s17, $0xC7;
	s18 =	ssub.s32 @!p1 s19, s18  }
0x27: {  	p2 =	por !p2, p1;
	s19 =	smov.u32 s17;
	s17 =	sand.u32 @!p1 s20, s17  }
0x28: {  	s20 =	sshra.s32 @!p1 s16, $0x1F;
	s19 =	simm.s32 @p2 $0xC7;
	p2 =	sgt.s32 @!p1 s16, $0xF80  }
0x29: {  	s17 =	ssub.s32 @!p1 s19, s17;
	p2 =	por !p2, p1;
	s19 =	smov.u32 s16  }
0x2a: {  	s16 =	sand.u32 @!p1 s20, s16;
	s20 =	sadd.s32 @!p1 $0xFFFFFF39, s17;
	s19 =	simm.s32 @p2 $0xF80  }
0x2b: {  	p2 =	sgt.s32 @!p1 s20, $0x0;
	s16 =	ssub.s32 @!p1 s19, s16  }
0x2c: {  	s17 =	ssub.s32 @!p1 $0xC8, s17;
	p2 =	por !p2, p1;
	s19 =	sadd.s32 @!p1 $0xFFFFF080, s16  }
0x2d: {  	s17 =	simm.s32 @!p2 $0x0;
	p2 =	sgt.s32 @!p1 s19, $0x7F  }
0x2e: {  	s21 =	smov.u32 s14;
	s16 =	ssub.s32 @!p1 $0x1000, s16;
	p2 =	por !p2, p1  }
0x2f: {  	s20 =	sadd.s32 @!p1 $0xFFFFFFF3, s18;
	s19 =	sadd.s32 $0x8, s12;
	s16 =	simm.s32 @!p2 $0x0  }
0x30: {  	p2 =	sgt.s32 s19, $0x14;
	s16 =	smul.u32 @!p1 s16, s17;
	s17 =	simm.s32 $0x1  }
0x31: {  	p0 =	por !p0, !p0;
	p3 =	sgt.s32 @!p1 s20, $0x7;
	s17 =	simm.s32 @!p2 $0x0  }
0x32: {  	s18 =	ssub.s32 @!p1 $0x15, s18;
	p3 =	por !p3, p1;
	s20 =	sadd.s32 s17, s13  }
0x33: {  	s18 =	simm.s32 @!p3 $0x0;
	s17 =	sadd.s32 $0x1000, s14;
	p3 =	sgt.s32 s20, $0xC7  }
0x34: {  	s22 =	simm.s32 @!p1 $0x2;
	s19 =	simm.s32 @p2 $0x0;
	s21 =	smov.u32 @p3 s17  }
0x35: {  	s16 =	smul.u32 @!p1 s18, s16;
	s18 =	smov.u32 s9;
	p2 =	sgt.s32 s21, $0xFFF  }
0x36: {  	s9 =	smov.u32 s12;
	s21 =	smov.u32 @p2 s2;
	p2 =	sne.s32 s15, s7  }
.Ltmp1:
0x37: {  	s12 =	smov.u32 s19;
	s16 =	sand.u32 @!p1 $0x3FFFFFFF, s16;
	(pc) =	sbr.rel @!p2 .LBB1_6-.Ltmp1, $4  }
0x38: {  	s20 =	simm.s32 @p3 $0x0;
	s17 =	smov.u32 s10;
	s10 =	smov.u32 s13  }
0x39: {  	_ =	swait.ge @!p1 [sflag:s22], s16;
	s23 =	ssub.s32 @!p1 $0x0, s16;
	s16 =	smov.u32 s11  }
0x3a: {  	s11 =	smov.u32 s14;
	s13 =	smov.u32 s20;
	[sflag:s22] =	ssyncset.done @!p1 $0x0  }
0x3b: {  	s15 =	sadd.s32 $0x1, s15;
	[sflag:s22] =	ssyncadd.s32 @!p1 s23;
	s14 =	smov.u32 s21  }
.LBB1_1:
0x3c: {  	p1 =	sge.u32 s15, s5  }
0x3d: {  	s19 =	sshll.u32 @!p1 s13, $0x7;
	s20 =	sshll.u32 @!p1 s12, $0x3  }
0x3e: {  	s21 =	sand.u32 @!p1 $0xFFFFFC00, s19;
	s20 =	sand.u32 @!p1 $0xFFFFFC00, s20  }
0x3f: {  	s19 =	sand.u32 @!p1 $0x380, s19;
	s20 =	sadd.s32 @!p1 s21, s20  }
0x40: {  	s19 =	sor.u32 @!p1 s19, s20  }
0x41: {  	s19 =	sshrl.u32 @!p1 s19, $0x7  }
0x42: {  	s20 =	smulhi.u32 @!p1 $0x147AE15, s19;
	_ =	sdelay $0x1  }
0x43: {  	s20 =	smul.u32 @!p1 $0xC8, s20  }
0x44: {  	s21 =	smul.u32 @!p1 $0xC80, s14  }
0x45: {  	s31 =	sadd.s32 $0xFFFFFFFF, s15;
	s19 =	ssub.s32 @!p1 s19, s20;
	s20 =	sshrl.u32 @!p1 s12, $0x3  }
0x46: {  	s22 =	sxor.u32 @!p1 $0xFFFFFFFF, s15;
	s21 =	sadd.s32 @!p1 s6, s21;
	s20 =	sand.u32 @!p1 $0xF, s20  }
0x47: {  	s22 =	sshll.u32 @!p1 s22, $0xA;
	s20 =	sadd.s32 @!p1 s20, s21;
	s21 =	sand.u32 @!p1 $0x7, s12  }
0x48: {  	s22 =	sand.u32 @!p1 $0x400, s22;
	s19 =	sshll.u32 @!p1 s19, $0x4;
	s21 =	sshll.u32 @!p1 s21, $0x12  }
0x49: {  	s19 =	sadd.s32 @!p1 s19, s20;
	s20 =	sor.u32 @!p1 $0x8, s21;
	s21 =	simm.s32 @!p1 $0x6400  }
0x4a: {  	[tilespmem:s22], [sflag:$0x1] =	stream.strided.gather @!p1 [hbm4b:s19+s20], $0x400, s21, s20, $0x38;
	[tilespmem:$0x1010] =	vst v63  }
0x4b: {  	p1 =	sge.u32 s31, s5  }
.Ltmp2:
0x4c: {  	_ = 	snop;
	(pc) =	sbr.rel @p1 .LBB1_5-.Ltmp2, $1  }
0x4d: {  	_ =	sdelay $0x3  }
0x4e: {  	s19 =	simm.s32 $0x1  }
0x4f: {  	s19 =	simm.s32 @!p0 $0x0  }
0x50: {  	s20 =	sshll.u32 s19, $0xA  }
0x51: {  	v1 =	vmov s20;
	_ =	sdelay $0x1  }
0x52: {  	_ =	swait.ge [sflag:s4], $0x400  }
0x53: {  	s31 =	sand.u32 $0x1, s15;
	[sflag:s4] =	ssyncset.done $0x0  }
0x54: {  	s22 =	simm.s32 $0x0;
	s19 =	smul.u32 $0x1020, s19;
	[sflag:s4] =	ssyncadd.s32 $0xFFFFFC00  }
0x55: {  	s20 =	smul.u32 $0x1020, s31;
	v0 =	vld.idx.msk [tilespmem:v1+s22+$0x0 ss:$0x1], $0xff;
	_ =	sdelay $0x1  }
0x56: {  	s19 =	sshrl.u32 s19, $0x2;
	s21 =	sshrl.u32 s20, $0x2  }
0x57: {  	s20 =	sor.u32 $0x800, s19;
	s19 =	sor.u32 $0x800, s21;
	s21 =	simm.s32 $0x20  }
.LBB1_3:
0x58: {  	s22 =	sshra.s32 s21, $0x2;
	p1 =	sne.s32 s21, $0xFE0;
	s21 =	sadd.s32 $0x20, s21  }
.Ltmp3:
0x59: {  	[tilespmem:s20+$0x0 ss:$0x81] =	vst.msk $0xff, v0;
	v0 =	vld.idx.msk [tilespmem:v1+s22+$0x0 ss:$0x1], $0xff;
	(pc) =	sbr.rel @p1 .LBB1_3-.Ltmp3, $2  }
0x5a: {  	_ =	sdelay $0x2  }
0x5b: {  	s20 =	sadd.s32 $0x1, s20  }
.Ltmp4:
0x5c: {  	_ = 	snop;
	(pc) =	sbr.rel .LBB1_4-.Ltmp4, $1  }
0x5d: {  	_ =	sdelay $0x3  }
.LBB1_6:
0x5e: {  	_ =	sfence.sel $0x180000  }
0x5f: {  	s2 =	simm.s32 $0x1;
	[bflag:$0x0] =	sbarrier.arrive $0xFFFF  }
0x60: {  	s31 =	simm.s32 $0x2;
	[sflag:s2] =	ssyncpa.u1 $0x1  }
0x61: {  	[sflag:s31] =	ssyncpa.u1 $0x1  }
0x62: {  	p0 =	sne.s32 s0, $0x0;
	_ =	strace $0x9000004A  }
0x63: {  	s0 =	sadd.s32 @!p0 $0x100000, s1;
	[bflag:$0x2] =	sbarrier.arrive $0xFFFF  }
0x64: {  	[sflag:s0] =	ssyncadd.tile.s32 @!p0 $0x1;
	_ =	shalt  }
.Lfunc_end1:
_tile_overlayer_lowered:
.L_overlay_start_2:
0x65: {  	(tag) =	ssettag $0x2  }
0x66: {  	s0 =	rddreg [dreg:$0x0];
	s2 =	stileid.u32  }
0x67: {  	s1 =	rddreg [dreg:$0x1];
	p0 =	sne.s32 s2, $0x0  }
0x68: {  	s3 =	rddreg [dreg:$0x2];
	[bflag:$0x3] =	sbarrier.arrive $0xFFFF;
	s2 =	simm.s32 @!p0 $0x1C01  }
0x69: {  	[timem:s3], [sflag:s2] =	dma.local @!p0 [hbm:s0], s1  }
0x6a: {  	s0 =	simm.s32 @!p0 $0x1  }
0x6b: {  	_ =	swait.ge @!p0 [sflag:s0], s1  }
0x6c: {  	s1 =	ssub.s32 @!p0 $0x0, s1;
	[sflag:s0] =	ssyncset.done @!p0 $0x0  }
0x6d: {  	[sflag:s0] =	ssyncadd.s32 @!p0 s1  }
0x6e: {  	[bflag:$0x3] =	sbarrier.arrive $0xFFFF  }
0x6f: {  	_ =	shalt  }

</sc_bundles>
